<compile_context>
chip_gen: v7x
topology: tpu7x:2x2x1
jax: 0.10.2.dev20260603
libtpu: 0.0.44.dev20260713+nightly
codegen_flags: <defaults>
</compile_context>

<pallas_src>
import functools

import jax
import jax.numpy as jnp
from jax import lax
from jax.experimental import pallas as pl
from jax.experimental.pallas import tpu as pltpu
from jax.experimental.pallas import tpu_sc as plsc

NUM_WORKERS = 32
CHUNK = 8
NBUF = 3


def kernel(tokens, W_E):
    B, S = tokens.shape
    V, D = W_E.shape
    N = B * S
    assert N % NUM_WORKERS == 0
    n_per_w = N // NUM_WORKERS
    assert n_per_w % CHUNK == 0
    n_chunks = n_per_w // CHUNK
    main = (n_chunks // NBUF) * NBUF

    idx = tokens.reshape(N).astype(jnp.int32)

    mesh = plsc.VectorSubcoreMesh(core_axis_name="c", subcore_axis_name="s")

    @functools.partial(
        pl.kernel,
        out_type=jax.ShapeDtypeStruct((N, D), jnp.float32),
        mesh=mesh,
        scratch_types=[
            pltpu.VMEM((n_per_w,), jnp.int32),
            pltpu.VMEM((NBUF, CHUNK, D), jnp.float32),
            pltpu.SemaphoreType.DMA((NBUF,)),
            pltpu.SemaphoreType.DMA((NBUF,)),
        ],
    )
    def embed_sc(idx_hbm, table_hbm, out_hbm, idx_v, rows_v, gsem, osem):
        wid = lax.axis_index("s") * 2 + lax.axis_index("c")
        base = wid * n_per_w
        pltpu.sync_copy(idx_hbm.at[pl.ds(base, n_per_w)], idx_v)

        def start_gather(chunk, b):
            pltpu.async_copy(
                table_hbm.at[idx_v.at[pl.ds(chunk * CHUNK, CHUNK)]],
                rows_v.at[b],
                gsem.at[b],
            )

        def wait_gather(b):
            pltpu.make_async_copy(
                table_hbm.at[idx_v.at[pl.ds(0, CHUNK)]], rows_v.at[b], gsem.at[b]
            ).wait()

        def out_copy(chunk, b):
            return pltpu.make_async_copy(
                rows_v.at[b], out_hbm.at[pl.ds(base + chunk * CHUNK, CHUNK)], osem.at[b]
            )

        for b in range(NBUF):
            start_gather(b, b)

        @pl.loop(0, main, step=NBUF)
        def _(c):
            for b in range(NBUF):
                chunk = c + b
                wait_gather(b)
                out_copy(chunk, b).start()

                @pl.when(chunk + NBUF < n_chunks)
                def _():
                    out_copy(chunk, b).wait()
                    start_gather(chunk + NBUF, b)

        for t in range(main, n_chunks):
            b = t % NBUF
            wait_gather(b)
            out_copy(t, b).start()

        for t in range(n_chunks - NBUF, n_chunks):
            out_copy(t, t % NBUF).wait()

    out = embed_sc(idx, W_E)
    return out.reshape(B, S, D)

# --- scband reference (transcript-rebuilt; emitter-appended) ---
"""Pipeline reference for scband-embed-14302241096250 (READ-ONLY COPY).

The authoritative reference and input builder live on the scoring server;
editing this copy changes nothing except your own understanding.
"""

import jax, jax.numpy as jnp
import numpy as np

D_VOCAB = 50257
D_MODEL = 4096
BATCH = 4
SEQ = 4096


def setup_inputs(seed: int = 0) -> dict:
    key = jax.random.key(seed)
    k_tok, k_w = jax.random.split(key)
    tokens = jax.random.randint(k_tok, (BATCH, SEQ), 0, D_VOCAB, dtype=jnp.int64 if jax.config.jax_enable_x64 else jnp.int32)
    W_E = jax.random.normal(k_w, (D_VOCAB, D_MODEL), dtype=jnp.float32) * 0.02
    return {"tokens": tokens, "W_E": W_E}


def reference(tokens, W_E):
    # Embed.forward: return self.W_E[tokens, :]
    return jnp.take(W_E, tokens, axis=0)

if __name__ == "__main__":
    import jax
    _d = setup_inputs()
    print(jax.jit(kernel)(*tuple(_d.values())))

</pallas_src>

<mosaic_0001>
#map = affine_map<(d0, d1) -> (0)>
#map1 = affine_map<(d0, d1) -> (0, 0)>
module attributes {stable_mosaic.version = 14 : i64} {
  func.func @embed_sc(%arg0: i32, %arg1: i32, %arg2: memref<16384xi32, #tpu.memory_space<hbm>>, %arg3: memref<50257x4096xf32, #tpu.memory_space<hbm>>, %arg4: memref<16384x4096xf32, #tpu.memory_space<hbm>>, %arg5: memref<512xi32, #tpu.memory_space<vmem>>, %arg6: memref<3x8x4096xf32, #tpu.memory_space<vmem>>, %arg7: memref<3x!tpu.dma_semaphore, #tpu.memory_space<semaphore_mem>>, %arg8: memref<3x!tpu.dma_semaphore, #tpu.memory_space<semaphore_mem>>) attributes {dimension_semantics = [#tpu.dimension_semantics<core_parallel>, #tpu.dimension_semantics<subcore_parallel>], iteration_bounds = array<i64: 2, 16>, scalar_prefetch = 0 : i64, scratch_operands = 4 : i64, tpu.core_type = #tpu.core_type<sc_vector_subcore>, window_params = [{transform_indices = #map}, {transform_indices = #map1}, {transform_indices = #map1}]} {
    %mul3A = arith.constant 2 : i32
    %mul3A_0 = arith.muli %arg1, %mul3A : i32
    %add3A = arith.addi %mul3A_0, %arg0 : i32
    %mul3A_1 = arith.constant 512 : i32
    %mul3A_2 = arith.muli %add3A, %mul3A_1 : i32
    "tpu.region"() ({
      %run_scoped3A = tpu.sem_alloc : memref<!tpu.dma_semaphore, #tpu.memory_space<semaphore_mem>>
      %dma_start3A_129 = tpu.memref_slice %arg2[%mul3A_2] : memref<16384xi32, #tpu.memory_space<hbm>> -> memref<512xi32, #tpu.memory_space<hbm>>
      %dma_start3A_130 = tpu.memref_slice %arg2[%mul3A_2] : memref<16384xi32, #tpu.memory_space<hbm>> -> memref<512xi32, #tpu.memory_space<hbm>>
      tpu.enqueue_dma source(%dma_start3A_130 : memref<512xi32, #tpu.memory_space<hbm>>) target(%arg5 : memref<512xi32, #tpu.memory_space<vmem>>) target_semaphore(%run_scoped3A : memref<!tpu.dma_semaphore, #tpu.memory_space<semaphore_mem>>)
      %dma_wait3A_131 = tpu.memref_slice %arg2[%mul3A_2] : memref<16384xi32, #tpu.memory_space<hbm>> -> memref<512xi32, #tpu.memory_space<hbm>>
      %dma_wait3A_132 = tpu.memref_slice %arg2[%mul3A_2] : memref<16384xi32, #tpu.memory_space<hbm>> -> memref<512xi32, #tpu.memory_space<hbm>>
      tpu.wait_dma2 semaphore(%run_scoped3A : memref<!tpu.dma_semaphore, #tpu.memory_space<semaphore_mem>>) src(%dma_wait3A_132 : memref<512xi32, #tpu.memory_space<hbm>>) dst(%arg5 : memref<512xi32, #tpu.memory_space<vmem>>)
      tpu.yield
    }) : () -> ()
    %dma_start3A = arith.constant 0 : i32
    %dma_start3A_3 = arith.constant 0 : i32
    %dma_start3A_4 = arith.constant 0 : i32
    %dma_start3A_5 = arith.constant 0 : i32
    %dma_start3A_6 = tpu.memref_slice %arg6[%dma_start3A, %dma_start3A_4, %dma_start3A_5] : memref<3x8x4096xf32, #tpu.memory_space<vmem>> -> memref<1x8x4096xf32, #tpu.memory_space<vmem>>
    %dma_start3A_7 = tpu.memref_squeeze %dma_start3A_6 : memref<1x8x4096xf32, #tpu.memory_space<vmem>> -> memref<8x4096xf32, #tpu.memory_space<vmem>>
    %dma_start3A_8 = arith.constant 0 : i32
    %dma_start3A_9 = tpu.memref_slice %arg5[%dma_start3A_8] : memref<512xi32, #tpu.memory_space<vmem>> -> memref<8xi32, #tpu.memory_space<vmem>>
    %dma_start3A_10 = arith.constant 0 : i32
    %dma_start3A_11 = arith.constant 0 : i32
    %dma_start3A_12 = tpu.memref_slice %arg3[%dma_start3A_10, %dma_start3A_11] : memref<50257x4096xf32, #tpu.memory_space<hbm>> -> memref<50257x4096xf32, #tpu.memory_space<hbm>>
    %dma_start3A_13 = tpu.memref_slice %arg7[%dma_start3A_3] : memref<3x!tpu.dma_semaphore, #tpu.memory_space<semaphore_mem>> -> memref<1x!tpu.dma_semaphore, #tpu.memory_space<semaphore_mem>>
    %dma_start3A_14 = tpu.memref_squeeze %dma_start3A_13 : memref<1x!tpu.dma_semaphore, #tpu.memory_space<semaphore_mem>> -> memref<!tpu.dma_semaphore, #tpu.memory_space<semaphore_mem>>
    tpu.enqueue_indirect_dma source(%dma_start3A_12 : memref<50257x4096xf32, #tpu.memory_space<hbm>>) target(%dma_start3A_7 : memref<8x4096xf32, #tpu.memory_space<vmem>>) offsets(%dma_start3A_9 : memref<8xi32, #tpu.memory_space<vmem>>) semaphore(%dma_start3A_14 : memref<!tpu.dma_semaphore, #tpu.memory_space<semaphore_mem>>)
    %dma_start3A_15 = arith.constant 1 : i32
    %dma_start3A_16 = arith.constant 1 : i32
    %dma_start3A_17 = arith.constant 0 : i32
    %dma_start3A_18 = arith.constant 0 : i32
    %dma_start3A_19 = tpu.memref_slice %arg6[%dma_start3A_15, %dma_start3A_17, %dma_start3A_18] : memref<3x8x4096xf32, #tpu.memory_space<vmem>> -> memref<1x8x4096xf32, #tpu.memory_space<vmem>>
    %dma_start3A_20 = tpu.memref_squeeze %dma_start3A_19 : memref<1x8x4096xf32, #tpu.memory_space<vmem>> -> memref<8x4096xf32, #tpu.memory_space<vmem>>
    %dma_start3A_21 = arith.constant 8 : i32
    %dma_start3A_22 = tpu.memref_slice %arg5[%dma_start3A_21] : memref<512xi32, #tpu.memory_space<vmem>> -> memref<8xi32, #tpu.memory_space<vmem>>
    %dma_start3A_23 = arith.constant 0 : i32
    %dma_start3A_24 = arith.constant 0 : i32
    %dma_start3A_25 = tpu.memref_slice %arg3[%dma_start3A_23, %dma_start3A_24] : memref<50257x4096xf32, #tpu.memory_space<hbm>> -> memref<50257x4096xf32, #tpu.memory_space<hbm>>
    %dma_start3A_26 = tpu.memref_slice %arg7[%dma_start3A_16] : memref<3x!tpu.dma_semaphore, #tpu.memory_space<semaphore_mem>> -> memref<1x!tpu.dma_semaphore, #tpu.memory_space<semaphore_mem>>
    %dma_start3A_27 = tpu.memref_squeeze %dma_start3A_26 : memref<1x!tpu.dma_semaphore, #tpu.memory_space<semaphore_mem>> -> memref<!tpu.dma_semaphore, #tpu.memory_space<semaphore_mem>>
    tpu.enqueue_indirect_dma source(%dma_start3A_25 : memref<50257x4096xf32, #tpu.memory_space<hbm>>) target(%dma_start3A_20 : memref<8x4096xf32, #tpu.memory_space<vmem>>) offsets(%dma_start3A_22 : memref<8xi32, #tpu.memory_space<vmem>>) semaphore(%dma_start3A_27 : memref<!tpu.dma_semaphore, #tpu.memory_space<semaphore_mem>>)
    %dma_start3A_28 = arith.constant 2 : i32
    %dma_start3A_29 = arith.constant 2 : i32
    %dma_start3A_30 = arith.constant 0 : i32
    %dma_start3A_31 = arith.constant 0 : i32
    %dma_start3A_32 = tpu.memref_slice %arg6[%dma_start3A_28, %dma_start3A_30, %dma_start3A_31] : memref<3x8x4096xf32, #tpu.memory_space<vmem>> -> memref<1x8x4096xf32, #tpu.memory_space<vmem>>
    %dma_start3A_33 = tpu.memref_squeeze %dma_start3A_32 : memref<1x8x4096xf32, #tpu.memory_space<vmem>> -> memref<8x4096xf32, #tpu.memory_space<vmem>>
    %dma_start3A_34 = arith.constant 16 : i32
    %dma_start3A_35 = tpu.memref_slice %arg5[%dma_start3A_34] : memref<512xi32, #tpu.memory_space<vmem>> -> memref<8xi32, #tpu.memory_space<vmem>>
    %dma_start3A_36 = arith.constant 0 : i32
    %dma_start3A_37 = arith.constant 0 : i32
    %dma_start3A_38 = tpu.memref_slice %arg3[%dma_start3A_36, %dma_start3A_37] : memref<50257x4096xf32, #tpu.memory_space<hbm>> -> memref<50257x4096xf32, #tpu.memory_space<hbm>>
    %dma_start3A_39 = tpu.memref_slice %arg7[%dma_start3A_29] : memref<3x!tpu.dma_semaphore, #tpu.memory_space<semaphore_mem>> -> memref<1x!tpu.dma_semaphore, #tpu.memory_space<semaphore_mem>>
    %dma_start3A_40 = tpu.memref_squeeze %dma_start3A_39 : memref<1x!tpu.dma_semaphore, #tpu.memory_space<semaphore_mem>> -> memref<!tpu.dma_semaphore, #tpu.memory_space<semaphore_mem>>
    tpu.enqueue_indirect_dma source(%dma_start3A_38 : memref<50257x4096xf32, #tpu.memory_space<hbm>>) target(%dma_start3A_33 : memref<8x4096xf32, #tpu.memory_space<vmem>>) offsets(%dma_start3A_35 : memref<8xi32, #tpu.memory_space<vmem>>) semaphore(%dma_start3A_40 : memref<!tpu.dma_semaphore, #tpu.memory_space<semaphore_mem>>)
    %scan3A = arith.constant 0 : i32
    %scan3A_41 = arith.constant 21 : i32
    %scan3A_42 = arith.addi %scan3A, %scan3A_41 : i32
    %scan3A_43 = arith.constant 1 : i32
    scf.for %scan3A_129 = %scan3A to %scan3A_42 step %scan3A_43  : i32 {
      %mul3A_130 = arith.constant 3 : i32
      %mul3A_131 = arith.muli %scan3A_129, %mul3A_130 : i32
      %add3A_132 = arith.constant 0 : i32
      %add3A_133 = arith.addi %add3A_132, %mul3A_131 : i32
      %add3A_134 = arith.constant 0 : i32
      %add3A_135 = arith.addi %add3A_133, %add3A_134 : i32
      %dma_wait3A_136 = arith.constant 0 : i32
      %dma_wait3A_137 = arith.constant 0 : i32
      %dma_wait3A_138 = arith.constant 0 : i32
      %dma_wait3A_139 = arith.constant 0 : i32
      %dma_wait3A_140 = tpu.memref_slice %arg6[%dma_wait3A_136, %dma_wait3A_138, %dma_wait3A_139] : memref<3x8x4096xf32, #tpu.memory_space<vmem>> -> memref<1x8x4096xf32, #tpu.memory_space<vmem>>
      %dma_wait3A_141 = tpu.memref_squeeze %dma_wait3A_140 : memref<1x8x4096xf32, #tpu.memory_space<vmem>> -> memref<8x4096xf32, #tpu.memory_space<vmem>>
      %dma_wait3A_142 = arith.constant 0 : i32
      %dma_wait3A_143 = tpu.memref_slice %arg5[%dma_wait3A_142] : memref<512xi32, #tpu.memory_space<vmem>> -> memref<8xi32, #tpu.memory_space<vmem>>
      %dma_wait3A_144 = arith.constant 0 : i32
      %dma_wait3A_145 = arith.constant 0 : i32
      %dma_wait3A_146 = tpu.memref_slice %arg3[%dma_wait3A_144, %dma_wait3A_145] : memref<50257x4096xf32, #tpu.memory_space<hbm>> -> memref<50257x4096xf32, #tpu.memory_space<hbm>>
      %dma_wait3A_147 = tpu.memref_slice %arg7[%dma_wait3A_137] : memref<3x!tpu.dma_semaphore, #tpu.memory_space<semaphore_mem>> -> memref<1x!tpu.dma_semaphore, #tpu.memory_space<semaphore_mem>>
      %dma_wait3A_148 = tpu.memref_squeeze %dma_wait3A_147 : memref<1x!tpu.dma_semaphore, #tpu.memory_space<semaphore_mem>> -> memref<!tpu.dma_semaphore, #tpu.memory_space<semaphore_mem>>
      tpu.wait_indirect_dma semaphore(%dma_wait3A_148 : memref<!tpu.dma_semaphore, #tpu.memory_space<semaphore_mem>>) src(%dma_wait3A_146 : memref<50257x4096xf32, #tpu.memory_space<hbm>>) dst(%dma_wait3A_141 : memref<8x4096xf32, #tpu.memory_space<vmem>>)
      %mul3A_149 = arith.constant 8 : i32
      %mul3A_150 = arith.muli %add3A_135, %mul3A_149 : i32
      %add3A_151 = arith.addi %mul3A_2, %mul3A_150 : i32
      %dma_start3A_152 = arith.constant 0 : i32
      %dma_start3A_153 = arith.constant 0 : i32
      %dma_start3A_154 = arith.constant 0 : i32
      %dma_start3A_155 = arith.constant 0 : i32
      %dma_start3A_156 = tpu.memref_slice %arg6[%dma_start3A_152, %dma_start3A_154, %dma_start3A_155] : memref<3x8x4096xf32, #tpu.memory_space<vmem>> -> memref<1x8x4096xf32, #tpu.memory_space<vmem>>
      %dma_start3A_157 = tpu.memref_squeeze %dma_start3A_156 : memref<1x8x4096xf32, #tpu.memory_space<vmem>> -> memref<8x4096xf32, #tpu.memory_space<vmem>>
      %dma_start3A_158 = arith.constant 0 : i32
      %dma_start3A_159 = tpu.memref_slice %arg4[%add3A_151, %dma_start3A_158] : memref<16384x4096xf32, #tpu.memory_space<hbm>> -> memref<8x4096xf32, #tpu.memory_space<hbm>>
      %dma_start3A_160 = tpu.memref_slice %arg8[%dma_start3A_153] : memref<3x!tpu.dma_semaphore, #tpu.memory_space<semaphore_mem>> -> memref<1x!tpu.dma_semaphore, #tpu.memory_space<semaphore_mem>>
      %dma_start3A_161 = tpu.memref_squeeze %dma_start3A_160 : memref<1x!tpu.dma_semaphore, #tpu.memory_space<semaphore_mem>> -> memref<!tpu.dma_semaphore, #tpu.memory_space<semaphore_mem>>
      %dma_start3A_162 = arith.constant 0 : i32
      %dma_start3A_163 = tpu.memref_slice %arg4[%add3A_151, %dma_start3A_162] : memref<16384x4096xf32, #tpu.memory_space<hbm>> -> memref<8x4096xf32, #tpu.memory_space<hbm>>
      %dma_start3A_164 = arith.constant 0 : i32
      %dma_start3A_165 = arith.constant 0 : i32
      %dma_start3A_166 = tpu.memref_slice %arg6[%dma_start3A_152, %dma_start3A_164, %dma_start3A_165] : memref<3x8x4096xf32, #tpu.memory_space<vmem>> -> memref<1x8x4096xf32, #tpu.memory_space<vmem>>
      %dma_start3A_167 = tpu.memref_squeeze %dma_start3A_166 : memref<1x8x4096xf32, #tpu.memory_space<vmem>> -> memref<8x4096xf32, #tpu.memory_space<vmem>>
      tpu.enqueue_dma source(%dma_start3A_167 : memref<8x4096xf32, #tpu.memory_space<vmem>>) target(%dma_start3A_163 : memref<8x4096xf32, #tpu.memory_space<hbm>>) target_semaphore(%dma_start3A_161 : memref<!tpu.dma_semaphore, #tpu.memory_space<semaphore_mem>>)
      %add3A_168 = arith.constant 3 : i32
      %add3A_169 = arith.addi %add3A_135, %add3A_168 : i32
      %lt3A = arith.constant 64 : i32
      %lt3A_170 = arith.cmpi slt, %add3A_169, %lt3A : i32
      %convert_element_type3A = arith.extui %lt3A_170 : i1 to i32
      %cond3A = arith.constant 0 : i32
      %cond3A_171 = arith.cmpi ne, %convert_element_type3A, %cond3A : i32
      scf.if %cond3A_171 {
        %mul3A_254 = arith.constant 8 : i32
        %mul3A_255 = arith.muli %add3A_135, %mul3A_254 : i32
        %add3A_256 = arith.addi %mul3A_2, %mul3A_255 : i32
        %dma_wait3A_257 = arith.constant 0 : i32
        %dma_wait3A_258 = arith.constant 0 : i32
        %dma_wait3A_259 = arith.constant 0 : i32
        %dma_wait3A_260 = arith.constant 0 : i32
        %dma_wait3A_261 = tpu.memref_slice %arg6[%dma_wait3A_257, %dma_wait3A_259, %dma_wait3A_260] : memref<3x8x4096xf32, #tpu.memory_space<vmem>> -> memref<1x8x4096xf32, #tpu.memory_space<vmem>>
        %dma_wait3A_262 = tpu.memref_squeeze %dma_wait3A_261 : memref<1x8x4096xf32, #tpu.memory_space<vmem>> -> memref<8x4096xf32, #tpu.memory_space<vmem>>
        %dma_wait3A_263 = arith.constant 0 : i32
        %dma_wait3A_264 = tpu.memref_slice %arg4[%add3A_256, %dma_wait3A_263] : memref<16384x4096xf32, #tpu.memory_space<hbm>> -> memref<8x4096xf32, #tpu.memory_space<hbm>>
        %dma_wait3A_265 = tpu.memref_slice %arg8[%dma_wait3A_258] : memref<3x!tpu.dma_semaphore, #tpu.memory_space<semaphore_mem>> -> memref<1x!tpu.dma_semaphore, #tpu.memory_space<semaphore_mem>>
        %dma_wait3A_266 = tpu.memref_squeeze %dma_wait3A_265 : memref<1x!tpu.dma_semaphore, #tpu.memory_space<semaphore_mem>> -> memref<!tpu.dma_semaphore, #tpu.memory_space<semaphore_mem>>
        %dma_wait3A_267 = arith.constant 0 : i32
        %dma_wait3A_268 = tpu.memref_slice %arg4[%add3A_256, %dma_wait3A_267] : memref<16384x4096xf32, #tpu.memory_space<hbm>> -> memref<8x4096xf32, #tpu.memory_space<hbm>>
        %dma_wait3A_269 = arith.constant 0 : i32
        %dma_wait3A_270 = arith.constant 0 : i32
        %dma_wait3A_271 = tpu.memref_slice %arg6[%dma_wait3A_257, %dma_wait3A_269, %dma_wait3A_270] : memref<3x8x4096xf32, #tpu.memory_space<vmem>> -> memref<1x8x4096xf32, #tpu.memory_space<vmem>>
        %dma_wait3A_272 = tpu.memref_squeeze %dma_wait3A_271 : memref<1x8x4096xf32, #tpu.memory_space<vmem>> -> memref<8x4096xf32, #tpu.memory_space<vmem>>
        tpu.wait_dma2 semaphore(%dma_wait3A_266 : memref<!tpu.dma_semaphore, #tpu.memory_space<semaphore_mem>>) src(%dma_wait3A_272 : memref<8x4096xf32, #tpu.memory_space<vmem>>) dst(%dma_wait3A_268 : memref<8x4096xf32, #tpu.memory_space<hbm>>)
        %add3A_273 = arith.constant 3 : i32
        %add3A_274 = arith.addi %add3A_135, %add3A_273 : i32
        %mul3A_275 = arith.constant 8 : i32
        %mul3A_276 = arith.muli %add3A_274, %mul3A_275 : i32
        %dma_start3A_277 = arith.constant 0 : i32
        %dma_start3A_278 = arith.constant 0 : i32
        %dma_start3A_279 = arith.constant 0 : i32
        %dma_start3A_280 = arith.constant 0 : i32
        %dma_start3A_281 = tpu.memref_slice %arg6[%dma_start3A_277, %dma_start3A_279, %dma_start3A_280] : memref<3x8x4096xf32, #tpu.memory_space<vmem>> -> memref<1x8x4096xf32, #tpu.memory_space<vmem>>
        %dma_start3A_282 = tpu.memref_squeeze %dma_start3A_281 : memref<1x8x4096xf32, #tpu.memory_space<vmem>> -> memref<8x4096xf32, #tpu.memory_space<vmem>>
        %dma_start3A_283 = tpu.memref_slice %arg5[%mul3A_276] : memref<512xi32, #tpu.memory_space<vmem>> -> memref<8xi32, #tpu.memory_space<vmem>>
        %dma_start3A_284 = arith.constant 0 : i32
        %dma_start3A_285 = arith.constant 0 : i32
        %dma_start3A_286 = tpu.memref_slice %arg3[%dma_start3A_284, %dma_start3A_285] : memref<50257x4096xf32, #tpu.memory_space<hbm>> -> memref<50257x4096xf32, #tpu.memory_space<hbm>>
        %dma_start3A_287 = tpu.memref_slice %arg7[%dma_start3A_278] : memref<3x!tpu.dma_semaphore, #tpu.memory_space<semaphore_mem>> -> memref<1x!tpu.dma_semaphore, #tpu.memory_space<semaphore_mem>>
        %dma_start3A_288 = tpu.memref_squeeze %dma_start3A_287 : memref<1x!tpu.dma_semaphore, #tpu.memory_space<semaphore_mem>> -> memref<!tpu.dma_semaphore, #tpu.memory_space<semaphore_mem>>
        tpu.enqueue_indirect_dma source(%dma_start3A_286 : memref<50257x4096xf32, #tpu.memory_space<hbm>>) target(%dma_start3A_282 : memref<8x4096xf32, #tpu.memory_space<vmem>>) offsets(%dma_start3A_283 : memref<8xi32, #tpu.memory_space<vmem>>) semaphore(%dma_start3A_288 : memref<!tpu.dma_semaphore, #tpu.memory_space<semaphore_mem>>)
      } else {
      }
      %add3A_172 = arith.constant 1 : i32
      %add3A_173 = arith.addi %add3A_133, %add3A_172 : i32
      %dma_wait3A_174 = arith.constant 1 : i32
      %dma_wait3A_175 = arith.constant 1 : i32
      %dma_wait3A_176 = arith.constant 0 : i32
      %dma_wait3A_177 = arith.constant 0 : i32
      %dma_wait3A_178 = tpu.memref_slice %arg6[%dma_wait3A_174, %dma_wait3A_176, %dma_wait3A_177] : memref<3x8x4096xf32, #tpu.memory_space<vmem>> -> memref<1x8x4096xf32, #tpu.memory_space<vmem>>
      %dma_wait3A_179 = tpu.memref_squeeze %dma_wait3A_178 : memref<1x8x4096xf32, #tpu.memory_space<vmem>> -> memref<8x4096xf32, #tpu.memory_space<vmem>>
      %dma_wait3A_180 = arith.constant 0 : i32
      %dma_wait3A_181 = tpu.memref_slice %arg5[%dma_wait3A_180] : memref<512xi32, #tpu.memory_space<vmem>> -> memref<8xi32, #tpu.memory_space<vmem>>
      %dma_wait3A_182 = arith.constant 0 : i32
      %dma_wait3A_183 = arith.constant 0 : i32
      %dma_wait3A_184 = tpu.memref_slice %arg3[%dma_wait3A_182, %dma_wait3A_183] : memref<50257x4096xf32, #tpu.memory_space<hbm>> -> memref<50257x4096xf32, #tpu.memory_space<hbm>>
      %dma_wait3A_185 = tpu.memref_slice %arg7[%dma_wait3A_175] : memref<3x!tpu.dma_semaphore, #tpu.memory_space<semaphore_mem>> -> memref<1x!tpu.dma_semaphore, #tpu.memory_space<semaphore_mem>>
      %dma_wait3A_186 = tpu.memref_squeeze %dma_wait3A_185 : memref<1x!tpu.dma_semaphore, #tpu.memory_space<semaphore_mem>> -> memref<!tpu.dma_semaphore, #tpu.memory_space<semaphore_mem>>
      tpu.wait_indirect_dma semaphore(%dma_wait3A_186 : memref<!tpu.dma_semaphore, #tpu.memory_space<semaphore_mem>>) src(%dma_wait3A_184 : memref<50257x4096xf32, #tpu.memory_space<hbm>>) dst(%dma_wait3A_179 : memref<8x4096xf32, #tpu.memory_space<vmem>>)
      %mul3A_187 = arith.constant 8 : i32
      %mul3A_188 = arith.muli %add3A_173, %mul3A_187 : i32
      %add3A_189 = arith.addi %mul3A_2, %mul3A_188 : i32
      %dma_start3A_190 = arith.constant 1 : i32
      %dma_start3A_191 = arith.constant 1 : i32
      %dma_start3A_192 = arith.constant 0 : i32
      %dma_start3A_193 = arith.constant 0 : i32
      %dma_start3A_194 = tpu.memref_slice %arg6[%dma_start3A_190, %dma_start3A_192, %dma_start3A_193] : memref<3x8x4096xf32, #tpu.memory_space<vmem>> -> memref<1x8x4096xf32, #tpu.memory_space<vmem>>
      %dma_start3A_195 = tpu.memref_squeeze %dma_start3A_194 : memref<1x8x4096xf32, #tpu.memory_space<vmem>> -> memref<8x4096xf32, #tpu.memory_space<vmem>>
      %dma_start3A_196 = arith.constant 0 : i32
      %dma_start3A_197 = tpu.memref_slice %arg4[%add3A_189, %dma_start3A_196] : memref<16384x4096xf32, #tpu.memory_space<hbm>> -> memref<8x4096xf32, #tpu.memory_space<hbm>>
      %dma_start3A_198 = tpu.memref_slice %arg8[%dma_start3A_191] : memref<3x!tpu.dma_semaphore, #tpu.memory_space<semaphore_mem>> -> memref<1x!tpu.dma_semaphore, #tpu.memory_space<semaphore_mem>>
      %dma_start3A_199 = tpu.memref_squeeze %dma_start3A_198 : memref<1x!tpu.dma_semaphore, #tpu.memory_space<semaphore_mem>> -> memref<!tpu.dma_semaphore, #tpu.memory_space<semaphore_mem>>
      %dma_start3A_200 = arith.constant 0 : i32
      %dma_start3A_201 = tpu.memref_slice %arg4[%add3A_189, %dma_start3A_200] : memref<16384x4096xf32, #tpu.memory_space<hbm>> -> memref<8x4096xf32, #tpu.memory_space<hbm>>
      %dma_start3A_202 = arith.constant 0 : i32
      %dma_start3A_203 = arith.constant 0 : i32
      %dma_start3A_204 = tpu.memref_slice %arg6[%dma_start3A_190, %dma_start3A_202, %dma_start3A_203] : memref<3x8x4096xf32, #tpu.memory_space<vmem>> -> memref<1x8x4096xf32, #tpu.memory_space<vmem>>
      %dma_start3A_205 = tpu.memref_squeeze %dma_start3A_204 : memref<1x8x4096xf32, #tpu.memory_space<vmem>> -> memref<8x4096xf32, #tpu.memory_space<vmem>>
      tpu.enqueue_dma source(%dma_start3A_205 : memref<8x4096xf32, #tpu.memory_space<vmem>>) target(%dma_start3A_201 : memref<8x4096xf32, #tpu.memory_space<hbm>>) target_semaphore(%dma_start3A_199 : memref<!tpu.dma_semaphore, #tpu.memory_space<semaphore_mem>>)
      %add3A_206 = arith.constant 3 : i32
      %add3A_207 = arith.addi %add3A_173, %add3A_206 : i32
      %lt3A_208 = arith.constant 64 : i32
      %lt3A_209 = arith.cmpi slt, %add3A_207, %lt3A_208 : i32
      %convert_element_type3A_210 = arith.extui %lt3A_209 : i1 to i32
      %cond3A_211 = arith.constant 0 : i32
      %cond3A_212 = arith.cmpi ne, %convert_element_type3A_210, %cond3A_211 : i32
      scf.if %cond3A_212 {
        %mul3A_254 = arith.constant 8 : i32
        %mul3A_255 = arith.muli %add3A_173, %mul3A_254 : i32
        %add3A_256 = arith.addi %mul3A_2, %mul3A_255 : i32
        %dma_wait3A_257 = arith.constant 1 : i32
        %dma_wait3A_258 = arith.constant 1 : i32
        %dma_wait3A_259 = arith.constant 0 : i32
        %dma_wait3A_260 = arith.constant 0 : i32
        %dma_wait3A_261 = tpu.memref_slice %arg6[%dma_wait3A_257, %dma_wait3A_259, %dma_wait3A_260] : memref<3x8x4096xf32, #tpu.memory_space<vmem>> -> memref<1x8x4096xf32, #tpu.memory_space<vmem>>
        %dma_wait3A_262 = tpu.memref_squeeze %dma_wait3A_261 : memref<1x8x4096xf32, #tpu.memory_space<vmem>> -> memref<8x4096xf32, #tpu.memory_space<vmem>>
        %dma_wait3A_263 = arith.constant 0 : i32
        %dma_wait3A_264 = tpu.memref_slice %arg4[%add3A_256, %dma_wait3A_263] : memref<16384x4096xf32, #tpu.memory_space<hbm>> -> memref<8x4096xf32, #tpu.memory_space<hbm>>
        %dma_wait3A_265 = tpu.memref_slice %arg8[%dma_wait3A_258] : memref<3x!tpu.dma_semaphore, #tpu.memory_space<semaphore_mem>> -> memref<1x!tpu.dma_semaphore, #tpu.memory_space<semaphore_mem>>
        %dma_wait3A_266 = tpu.memref_squeeze %dma_wait3A_265 : memref<1x!tpu.dma_semaphore, #tpu.memory_space<semaphore_mem>> -> memref<!tpu.dma_semaphore, #tpu.memory_space<semaphore_mem>>
        %dma_wait3A_267 = arith.constant 0 : i32
        %dma_wait3A_268 = tpu.memref_slice %arg4[%add3A_256, %dma_wait3A_267] : memref<16384x4096xf32, #tpu.memory_space<hbm>> -> memref<8x4096xf32, #tpu.memory_space<hbm>>
        %dma_wait3A_269 = arith.constant 0 : i32
        %dma_wait3A_270 = arith.constant 0 : i32
        %dma_wait3A_271 = tpu.memref_slice %arg6[%dma_wait3A_257, %dma_wait3A_269, %dma_wait3A_270] : memref<3x8x4096xf32, #tpu.memory_space<vmem>> -> memref<1x8x4096xf32, #tpu.memory_space<vmem>>
        %dma_wait3A_272 = tpu.memref_squeeze %dma_wait3A_271 : memref<1x8x4096xf32, #tpu.memory_space<vmem>> -> memref<8x4096xf32, #tpu.memory_space<vmem>>
        tpu.wait_dma2 semaphore(%dma_wait3A_266 : memref<!tpu.dma_semaphore, #tpu.memory_space<semaphore_mem>>) src(%dma_wait3A_272 : memref<8x4096xf32, #tpu.memory_space<vmem>>) dst(%dma_wait3A_268 : memref<8x4096xf32, #tpu.memory_space<hbm>>)
        %add3A_273 = arith.constant 3 : i32
        %add3A_274 = arith.addi %add3A_173, %add3A_273 : i32
        %mul3A_275 = arith.constant 8 : i32
        %mul3A_276 = arith.muli %add3A_274, %mul3A_275 : i32
        %dma_start3A_277 = arith.constant 1 : i32
        %dma_start3A_278 = arith.constant 1 : i32
        %dma_start3A_279 = arith.constant 0 : i32
        %dma_start3A_280 = arith.constant 0 : i32
        %dma_start3A_281 = tpu.memref_slice %arg6[%dma_start3A_277, %dma_start3A_279, %dma_start3A_280] : memref<3x8x4096xf32, #tpu.memory_space<vmem>> -> memref<1x8x4096xf32, #tpu.memory_space<vmem>>
        %dma_start3A_282 = tpu.memref_squeeze %dma_start3A_281 : memref<1x8x4096xf32, #tpu.memory_space<vmem>> -> memref<8x4096xf32, #tpu.memory_space<vmem>>
        %dma_start3A_283 = tpu.memref_slice %arg5[%mul3A_276] : memref<512xi32, #tpu.memory_space<vmem>> -> memref<8xi32, #tpu.memory_space<vmem>>
        %dma_start3A_284 = arith.constant 0 : i32
        %dma_start3A_285 = arith.constant 0 : i32
        %dma_start3A_286 = tpu.memref_slice %arg3[%dma_start3A_284, %dma_start3A_285] : memref<50257x4096xf32, #tpu.memory_space<hbm>> -> memref<50257x4096xf32, #tpu.memory_space<hbm>>
        %dma_start3A_287 = tpu.memref_slice %arg7[%dma_start3A_278] : memref<3x!tpu.dma_semaphore, #tpu.memory_space<semaphore_mem>> -> memref<1x!tpu.dma_semaphore, #tpu.memory_space<semaphore_mem>>
        %dma_start3A_288 = tpu.memref_squeeze %dma_start3A_287 : memref<1x!tpu.dma_semaphore, #tpu.memory_space<semaphore_mem>> -> memref<!tpu.dma_semaphore, #tpu.memory_space<semaphore_mem>>
        tpu.enqueue_indirect_dma source(%dma_start3A_286 : memref<50257x4096xf32, #tpu.memory_space<hbm>>) target(%dma_start3A_282 : memref<8x4096xf32, #tpu.memory_space<vmem>>) offsets(%dma_start3A_283 : memref<8xi32, #tpu.memory_space<vmem>>) semaphore(%dma_start3A_288 : memref<!tpu.dma_semaphore, #tpu.memory_space<semaphore_mem>>)
      } else {
      }
      %add3A_213 = arith.constant 2 : i32
      %add3A_214 = arith.addi %add3A_133, %add3A_213 : i32
      %dma_wait3A_215 = arith.constant 2 : i32
      %dma_wait3A_216 = arith.constant 2 : i32
      %dma_wait3A_217 = arith.constant 0 : i32
      %dma_wait3A_218 = arith.constant 0 : i32
      %dma_wait3A_219 = tpu.memref_slice %arg6[%dma_wait3A_215, %dma_wait3A_217, %dma_wait3A_218] : memref<3x8x4096xf32, #tpu.memory_space<vmem>> -> memref<1x8x4096xf32, #tpu.memory_space<vmem>>
      %dma_wait3A_220 = tpu.memref_squeeze %dma_wait3A_219 : memref<1x8x4096xf32, #tpu.memory_space<vmem>> -> memref<8x4096xf32, #tpu.memory_space<vmem>>
      %dma_wait3A_221 = arith.constant 0 : i32
      %dma_wait3A_222 = tpu.memref_slice %arg5[%dma_wait3A_221] : memref<512xi32, #tpu.memory_space<vmem>> -> memref<8xi32, #tpu.memory_space<vmem>>
      %dma_wait3A_223 = arith.constant 0 : i32
      %dma_wait3A_224 = arith.constant 0 : i32
      %dma_wait3A_225 = tpu.memref_slice %arg3[%dma_wait3A_223, %dma_wait3A_224] : memref<50257x4096xf32, #tpu.memory_space<hbm>> -> memref<50257x4096xf32, #tpu.memory_space<hbm>>
      %dma_wait3A_226 = tpu.memref_slice %arg7[%dma_wait3A_216] : memref<3x!tpu.dma_semaphore, #tpu.memory_space<semaphore_mem>> -> memref<1x!tpu.dma_semaphore, #tpu.memory_space<semaphore_mem>>
      %dma_wait3A_227 = tpu.memref_squeeze %dma_wait3A_226 : memref<1x!tpu.dma_semaphore, #tpu.memory_space<semaphore_mem>> -> memref<!tpu.dma_semaphore, #tpu.memory_space<semaphore_mem>>
      tpu.wait_indirect_dma semaphore(%dma_wait3A_227 : memref<!tpu.dma_semaphore, #tpu.memory_space<semaphore_mem>>) src(%dma_wait3A_225 : memref<50257x4096xf32, #tpu.memory_space<hbm>>) dst(%dma_wait3A_220 : memref<8x4096xf32, #tpu.memory_space<vmem>>)
      %mul3A_228 = arith.constant 8 : i32
      %mul3A_229 = arith.muli %add3A_214, %mul3A_228 : i32
      %add3A_230 = arith.addi %mul3A_2, %mul3A_229 : i32
      %dma_start3A_231 = arith.constant 2 : i32
      %dma_start3A_232 = arith.constant 2 : i32
      %dma_start3A_233 = arith.constant 0 : i32
      %dma_start3A_234 = arith.constant 0 : i32
      %dma_start3A_235 = tpu.memref_slice %arg6[%dma_start3A_231, %dma_start3A_233, %dma_start3A_234] : memref<3x8x4096xf32, #tpu.memory_space<vmem>> -> memref<1x8x4096xf32, #tpu.memory_space<vmem>>
      %dma_start3A_236 = tpu.memref_squeeze %dma_start3A_235 : memref<1x8x4096xf32, #tpu.memory_space<vmem>> -> memref<8x4096xf32, #tpu.memory_space<vmem>>
      %dma_start3A_237 = arith.constant 0 : i32
      %dma_start3A_238 = tpu.memref_slice %arg4[%add3A_230, %dma_start3A_237] : memref<16384x4096xf32, #tpu.memory_space<hbm>> -> memref<8x4096xf32, #tpu.memory_space<hbm>>
      %dma_start3A_239 = tpu.memref_slice %arg8[%dma_start3A_232] : memref<3x!tpu.dma_semaphore, #tpu.memory_space<semaphore_mem>> -> memref<1x!tpu.dma_semaphore, #tpu.memory_space<semaphore_mem>>
      %dma_start3A_240 = tpu.memref_squeeze %dma_start3A_239 : memref<1x!tpu.dma_semaphore, #tpu.memory_space<semaphore_mem>> -> memref<!tpu.dma_semaphore, #tpu.memory_space<semaphore_mem>>
      %dma_start3A_241 = arith.constant 0 : i32
      %dma_start3A_242 = tpu.memref_slice %arg4[%add3A_230, %dma_start3A_241] : memref<16384x4096xf32, #tpu.memory_space<hbm>> -> memref<8x4096xf32, #tpu.memory_space<hbm>>
      %dma_start3A_243 = arith.constant 0 : i32
      %dma_start3A_244 = arith.constant 0 : i32
      %dma_start3A_245 = tpu.memref_slice %arg6[%dma_start3A_231, %dma_start3A_243, %dma_start3A_244] : memref<3x8x4096xf32, #tpu.memory_space<vmem>> -> memref<1x8x4096xf32, #tpu.memory_space<vmem>>
      %dma_start3A_246 = tpu.memref_squeeze %dma_start3A_245 : memref<1x8x4096xf32, #tpu.memory_space<vmem>> -> memref<8x4096xf32, #tpu.memory_space<vmem>>
      tpu.enqueue_dma source(%dma_start3A_246 : memref<8x4096xf32, #tpu.memory_space<vmem>>) target(%dma_start3A_242 : memref<8x4096xf32, #tpu.memory_space<hbm>>) target_semaphore(%dma_start3A_240 : memref<!tpu.dma_semaphore, #tpu.memory_space<semaphore_mem>>)
      %add3A_247 = arith.constant 3 : i32
      %add3A_248 = arith.addi %add3A_214, %add3A_247 : i32
      %lt3A_249 = arith.constant 64 : i32
      %lt3A_250 = arith.cmpi slt, %add3A_248, %lt3A_249 : i32
      %convert_element_type3A_251 = arith.extui %lt3A_250 : i1 to i32
      %cond3A_252 = arith.constant 0 : i32
      %cond3A_253 = arith.cmpi ne, %convert_element_type3A_251, %cond3A_252 : i32
      scf.if %cond3A_253 {
        %mul3A_254 = arith.constant 8 : i32
        %mul3A_255 = arith.muli %add3A_214, %mul3A_254 : i32
        %add3A_256 = arith.addi %mul3A_2, %mul3A_255 : i32
        %dma_wait3A_257 = arith.constant 2 : i32
        %dma_wait3A_258 = arith.constant 2 : i32
        %dma_wait3A_259 = arith.constant 0 : i32
        %dma_wait3A_260 = arith.constant 0 : i32
        %dma_wait3A_261 = tpu.memref_slice %arg6[%dma_wait3A_257, %dma_wait3A_259, %dma_wait3A_260] : memref<3x8x4096xf32, #tpu.memory_space<vmem>> -> memref<1x8x4096xf32, #tpu.memory_space<vmem>>
        %dma_wait3A_262 = tpu.memref_squeeze %dma_wait3A_261 : memref<1x8x4096xf32, #tpu.memory_space<vmem>> -> memref<8x4096xf32, #tpu.memory_space<vmem>>
        %dma_wait3A_263 = arith.constant 0 : i32
        %dma_wait3A_264 = tpu.memref_slice %arg4[%add3A_256, %dma_wait3A_263] : memref<16384x4096xf32, #tpu.memory_space<hbm>> -> memref<8x4096xf32, #tpu.memory_space<hbm>>
        %dma_wait3A_265 = tpu.memref_slice %arg8[%dma_wait3A_258] : memref<3x!tpu.dma_semaphore, #tpu.memory_space<semaphore_mem>> -> memref<1x!tpu.dma_semaphore, #tpu.memory_space<semaphore_mem>>
        %dma_wait3A_266 = tpu.memref_squeeze %dma_wait3A_265 : memref<1x!tpu.dma_semaphore, #tpu.memory_space<semaphore_mem>> -> memref<!tpu.dma_semaphore, #tpu.memory_space<semaphore_mem>>
        %dma_wait3A_267 = arith.constant 0 : i32
        %dma_wait3A_268 = tpu.memref_slice %arg4[%add3A_256, %dma_wait3A_267] : memref<16384x4096xf32, #tpu.memory_space<hbm>> -> memref<8x4096xf32, #tpu.memory_space<hbm>>
        %dma_wait3A_269 = arith.constant 0 : i32
        %dma_wait3A_270 = arith.constant 0 : i32
        %dma_wait3A_271 = tpu.memref_slice %arg6[%dma_wait3A_257, %dma_wait3A_269, %dma_wait3A_270] : memref<3x8x4096xf32, #tpu.memory_space<vmem>> -> memref<1x8x4096xf32, #tpu.memory_space<vmem>>
        %dma_wait3A_272 = tpu.memref_squeeze %dma_wait3A_271 : memref<1x8x4096xf32, #tpu.memory_space<vmem>> -> memref<8x4096xf32, #tpu.memory_space<vmem>>
        tpu.wait_dma2 semaphore(%dma_wait3A_266 : memref<!tpu.dma_semaphore, #tpu.memory_space<semaphore_mem>>) src(%dma_wait3A_272 : memref<8x4096xf32, #tpu.memory_space<vmem>>) dst(%dma_wait3A_268 : memref<8x4096xf32, #tpu.memory_space<hbm>>)
        %add3A_273 = arith.constant 3 : i32
        %add3A_274 = arith.addi %add3A_214, %add3A_273 : i32
        %mul3A_275 = arith.constant 8 : i32
        %mul3A_276 = arith.muli %add3A_274, %mul3A_275 : i32
        %dma_start3A_277 = arith.constant 2 : i32
        %dma_start3A_278 = arith.constant 2 : i32
        %dma_start3A_279 = arith.constant 0 : i32
        %dma_start3A_280 = arith.constant 0 : i32
        %dma_start3A_281 = tpu.memref_slice %arg6[%dma_start3A_277, %dma_start3A_279, %dma_start3A_280] : memref<3x8x4096xf32, #tpu.memory_space<vmem>> -> memref<1x8x4096xf32, #tpu.memory_space<vmem>>
        %dma_start3A_282 = tpu.memref_squeeze %dma_start3A_281 : memref<1x8x4096xf32, #tpu.memory_space<vmem>> -> memref<8x4096xf32, #tpu.memory_space<vmem>>
        %dma_start3A_283 = tpu.memref_slice %arg5[%mul3A_276] : memref<512xi32, #tpu.memory_space<vmem>> -> memref<8xi32, #tpu.memory_space<vmem>>
        %dma_start3A_284 = arith.constant 0 : i32
        %dma_start3A_285 = arith.constant 0 : i32
        %dma_start3A_286 = tpu.memref_slice %arg3[%dma_start3A_284, %dma_start3A_285] : memref<50257x4096xf32, #tpu.memory_space<hbm>> -> memref<50257x4096xf32, #tpu.memory_space<hbm>>
        %dma_start3A_287 = tpu.memref_slice %arg7[%dma_start3A_278] : memref<3x!tpu.dma_semaphore, #tpu.memory_space<semaphore_mem>> -> memref<1x!tpu.dma_semaphore, #tpu.memory_space<semaphore_mem>>
        %dma_start3A_288 = tpu.memref_squeeze %dma_start3A_287 : memref<1x!tpu.dma_semaphore, #tpu.memory_space<semaphore_mem>> -> memref<!tpu.dma_semaphore, #tpu.memory_space<semaphore_mem>>
        tpu.enqueue_indirect_dma source(%dma_start3A_286 : memref<50257x4096xf32, #tpu.memory_space<hbm>>) target(%dma_start3A_282 : memref<8x4096xf32, #tpu.memory_space<vmem>>) offsets(%dma_start3A_283 : memref<8xi32, #tpu.memory_space<vmem>>) semaphore(%dma_start3A_288 : memref<!tpu.dma_semaphore, #tpu.memory_space<semaphore_mem>>)
      } else {
      }
    }
    %scan3A_44 = arith.constant 21 : i32
    %dma_wait3A = arith.constant 0 : i32
    %dma_wait3A_45 = arith.constant 0 : i32
    %dma_wait3A_46 = arith.constant 0 : i32
    %dma_wait3A_47 = arith.constant 0 : i32
    %dma_wait3A_48 = tpu.memref_slice %arg6[%dma_wait3A, %dma_wait3A_46, %dma_wait3A_47] : memref<3x8x4096xf32, #tpu.memory_space<vmem>> -> memref<1x8x4096xf32, #tpu.memory_space<vmem>>
    %dma_wait3A_49 = tpu.memref_squeeze %dma_wait3A_48 : memref<1x8x4096xf32, #tpu.memory_space<vmem>> -> memref<8x4096xf32, #tpu.memory_space<vmem>>
    %dma_wait3A_50 = arith.constant 0 : i32
    %dma_wait3A_51 = tpu.memref_slice %arg5[%dma_wait3A_50] : memref<512xi32, #tpu.memory_space<vmem>> -> memref<8xi32, #tpu.memory_space<vmem>>
    %dma_wait3A_52 = arith.constant 0 : i32
    %dma_wait3A_53 = arith.constant 0 : i32
    %dma_wait3A_54 = tpu.memref_slice %arg3[%dma_wait3A_52, %dma_wait3A_53] : memref<50257x4096xf32, #tpu.memory_space<hbm>> -> memref<50257x4096xf32, #tpu.memory_space<hbm>>
    %dma_wait3A_55 = tpu.memref_slice %arg7[%dma_wait3A_45] : memref<3x!tpu.dma_semaphore, #tpu.memory_space<semaphore_mem>> -> memref<1x!tpu.dma_semaphore, #tpu.memory_space<semaphore_mem>>
    %dma_wait3A_56 = tpu.memref_squeeze %dma_wait3A_55 : memref<1x!tpu.dma_semaphore, #tpu.memory_space<semaphore_mem>> -> memref<!tpu.dma_semaphore, #tpu.memory_space<semaphore_mem>>
    tpu.wait_indirect_dma semaphore(%dma_wait3A_56 : memref<!tpu.dma_semaphore, #tpu.memory_space<semaphore_mem>>) src(%dma_wait3A_54 : memref<50257x4096xf32, #tpu.memory_space<hbm>>) dst(%dma_wait3A_49 : memref<8x4096xf32, #tpu.memory_space<vmem>>)
    %add3A_57 = arith.constant 504 : i32
    %add3A_58 = arith.addi %mul3A_2, %add3A_57 : i32
    %dma_start3A_59 = arith.constant 0 : i32
    %dma_start3A_60 = arith.constant 0 : i32
    %dma_start3A_61 = arith.constant 0 : i32
    %dma_start3A_62 = arith.constant 0 : i32
    %dma_start3A_63 = tpu.memref_slice %arg6[%dma_start3A_59, %dma_start3A_61, %dma_start3A_62] : memref<3x8x4096xf32, #tpu.memory_space<vmem>> -> memref<1x8x4096xf32, #tpu.memory_space<vmem>>
    %dma_start3A_64 = tpu.memref_squeeze %dma_start3A_63 : memref<1x8x4096xf32, #tpu.memory_space<vmem>> -> memref<8x4096xf32, #tpu.memory_space<vmem>>
    %dma_start3A_65 = arith.constant 0 : i32
    %dma_start3A_66 = tpu.memref_slice %arg4[%add3A_58, %dma_start3A_65] : memref<16384x4096xf32, #tpu.memory_space<hbm>> -> memref<8x4096xf32, #tpu.memory_space<hbm>>
    %dma_start3A_67 = tpu.memref_slice %arg8[%dma_start3A_60] : memref<3x!tpu.dma_semaphore, #tpu.memory_space<semaphore_mem>> -> memref<1x!tpu.dma_semaphore, #tpu.memory_space<semaphore_mem>>
    %dma_start3A_68 = tpu.memref_squeeze %dma_start3A_67 : memref<1x!tpu.dma_semaphore, #tpu.memory_space<semaphore_mem>> -> memref<!tpu.dma_semaphore, #tpu.memory_space<semaphore_mem>>
    %dma_start3A_69 = arith.constant 0 : i32
    %dma_start3A_70 = tpu.memref_slice %arg4[%add3A_58, %dma_start3A_69] : memref<16384x4096xf32, #tpu.memory_space<hbm>> -> memref<8x4096xf32, #tpu.memory_space<hbm>>
    %dma_start3A_71 = arith.constant 0 : i32
    %dma_start3A_72 = arith.constant 0 : i32
    %dma_start3A_73 = tpu.memref_slice %arg6[%dma_start3A_59, %dma_start3A_71, %dma_start3A_72] : memref<3x8x4096xf32, #tpu.memory_space<vmem>> -> memref<1x8x4096xf32, #tpu.memory_space<vmem>>
    %dma_start3A_74 = tpu.memref_squeeze %dma_start3A_73 : memref<1x8x4096xf32, #tpu.memory_space<vmem>> -> memref<8x4096xf32, #tpu.memory_space<vmem>>
    tpu.enqueue_dma source(%dma_start3A_74 : memref<8x4096xf32, #tpu.memory_space<vmem>>) target(%dma_start3A_70 : memref<8x4096xf32, #tpu.memory_space<hbm>>) target_semaphore(%dma_start3A_68 : memref<!tpu.dma_semaphore, #tpu.memory_space<semaphore_mem>>)
    %add3A_75 = arith.constant 488 : i32
    %add3A_76 = arith.addi %mul3A_2, %add3A_75 : i32
    %dma_wait3A_77 = arith.constant 1 : i32
    %dma_wait3A_78 = arith.constant 1 : i32
    %dma_wait3A_79 = arith.constant 0 : i32
    %dma_wait3A_80 = arith.constant 0 : i32
    %dma_wait3A_81 = tpu.memref_slice %arg6[%dma_wait3A_77, %dma_wait3A_79, %dma_wait3A_80] : memref<3x8x4096xf32, #tpu.memory_space<vmem>> -> memref<1x8x4096xf32, #tpu.memory_space<vmem>>
    %dma_wait3A_82 = tpu.memref_squeeze %dma_wait3A_81 : memref<1x8x4096xf32, #tpu.memory_space<vmem>> -> memref<8x4096xf32, #tpu.memory_space<vmem>>
    %dma_wait3A_83 = arith.constant 0 : i32
    %dma_wait3A_84 = tpu.memref_slice %arg4[%add3A_76, %dma_wait3A_83] : memref<16384x4096xf32, #tpu.memory_space<hbm>> -> memref<8x4096xf32, #tpu.memory_space<hbm>>
    %dma_wait3A_85 = tpu.memref_slice %arg8[%dma_wait3A_78] : memref<3x!tpu.dma_semaphore, #tpu.memory_space<semaphore_mem>> -> memref<1x!tpu.dma_semaphore, #tpu.memory_space<semaphore_mem>>
    %dma_wait3A_86 = tpu.memref_squeeze %dma_wait3A_85 : memref<1x!tpu.dma_semaphore, #tpu.memory_space<semaphore_mem>> -> memref<!tpu.dma_semaphore, #tpu.memory_space<semaphore_mem>>
    %dma_wait3A_87 = arith.constant 0 : i32
    %dma_wait3A_88 = tpu.memref_slice %arg4[%add3A_76, %dma_wait3A_87] : memref<16384x4096xf32, #tpu.memory_space<hbm>> -> memref<8x4096xf32, #tpu.memory_space<hbm>>
    %dma_wait3A_89 = arith.constant 0 : i32
    %dma_wait3A_90 = arith.constant 0 : i32
    %dma_wait3A_91 = tpu.memref_slice %arg6[%dma_wait3A_77, %dma_wait3A_89, %dma_wait3A_90] : memref<3x8x4096xf32, #tpu.memory_space<vmem>> -> memref<1x8x4096xf32, #tpu.memory_space<vmem>>
    %dma_wait3A_92 = tpu.memref_squeeze %dma_wait3A_91 : memref<1x8x4096xf32, #tpu.memory_space<vmem>> -> memref<8x4096xf32, #tpu.memory_space<vmem>>
    tpu.wait_dma2 semaphore(%dma_wait3A_86 : memref<!tpu.dma_semaphore, #tpu.memory_space<semaphore_mem>>) src(%dma_wait3A_92 : memref<8x4096xf32, #tpu.memory_space<vmem>>) dst(%dma_wait3A_88 : memref<8x4096xf32, #tpu.memory_space<hbm>>)
    %add3A_93 = arith.constant 496 : i32
    %add3A_94 = arith.addi %mul3A_2, %add3A_93 : i32
    %dma_wait3A_95 = arith.constant 2 : i32
    %dma_wait3A_96 = arith.constant 2 : i32
    %dma_wait3A_97 = arith.constant 0 : i32
    %dma_wait3A_98 = arith.constant 0 : i32
    %dma_wait3A_99 = tpu.memref_slice %arg6[%dma_wait3A_95, %dma_wait3A_97, %dma_wait3A_98] : memref<3x8x4096xf32, #tpu.memory_space<vmem>> -> memref<1x8x4096xf32, #tpu.memory_space<vmem>>
    %dma_wait3A_100 = tpu.memref_squeeze %dma_wait3A_99 : memref<1x8x4096xf32, #tpu.memory_space<vmem>> -> memref<8x4096xf32, #tpu.memory_space<vmem>>
    %dma_wait3A_101 = arith.constant 0 : i32
    %dma_wait3A_102 = tpu.memref_slice %arg4[%add3A_94, %dma_wait3A_101] : memref<16384x4096xf32, #tpu.memory_space<hbm>> -> memref<8x4096xf32, #tpu.memory_space<hbm>>
    %dma_wait3A_103 = tpu.memref_slice %arg8[%dma_wait3A_96] : memref<3x!tpu.dma_semaphore, #tpu.memory_space<semaphore_mem>> -> memref<1x!tpu.dma_semaphore, #tpu.memory_space<semaphore_mem>>
    %dma_wait3A_104 = tpu.memref_squeeze %dma_wait3A_103 : memref<1x!tpu.dma_semaphore, #tpu.memory_space<semaphore_mem>> -> memref<!tpu.dma_semaphore, #tpu.memory_space<semaphore_mem>>
    %dma_wait3A_105 = arith.constant 0 : i32
    %dma_wait3A_106 = tpu.memref_slice %arg4[%add3A_94, %dma_wait3A_105] : memref<16384x4096xf32, #tpu.memory_space<hbm>> -> memref<8x4096xf32, #tpu.memory_space<hbm>>
    %dma_wait3A_107 = arith.constant 0 : i32
    %dma_wait3A_108 = arith.constant 0 : i32
    %dma_wait3A_109 = tpu.memref_slice %arg6[%dma_wait3A_95, %dma_wait3A_107, %dma_wait3A_108] : memref<3x8x4096xf32, #tpu.memory_space<vmem>> -> memref<1x8x4096xf32, #tpu.memory_space<vmem>>
    %dma_wait3A_110 = tpu.memref_squeeze %dma_wait3A_109 : memref<1x8x4096xf32, #tpu.memory_space<vmem>> -> memref<8x4096xf32, #tpu.memory_space<vmem>>
    tpu.wait_dma2 semaphore(%dma_wait3A_104 : memref<!tpu.dma_semaphore, #tpu.memory_space<semaphore_mem>>) src(%dma_wait3A_110 : memref<8x4096xf32, #tpu.memory_space<vmem>>) dst(%dma_wait3A_106 : memref<8x4096xf32, #tpu.memory_space<hbm>>)
    %add3A_111 = arith.constant 504 : i32
    %add3A_112 = arith.addi %mul3A_2, %add3A_111 : i32
    %dma_wait3A_113 = arith.constant 0 : i32
    %dma_wait3A_114 = arith.constant 0 : i32
    %dma_wait3A_115 = arith.constant 0 : i32
    %dma_wait3A_116 = arith.constant 0 : i32
    %dma_wait3A_117 = tpu.memref_slice %arg6[%dma_wait3A_113, %dma_wait3A_115, %dma_wait3A_116] : memref<3x8x4096xf32, #tpu.memory_space<vmem>> -> memref<1x8x4096xf32, #tpu.memory_space<vmem>>
    %dma_wait3A_118 = tpu.memref_squeeze %dma_wait3A_117 : memref<1x8x4096xf32, #tpu.memory_space<vmem>> -> memref<8x4096xf32, #tpu.memory_space<vmem>>
    %dma_wait3A_119 = arith.constant 0 : i32
    %dma_wait3A_120 = tpu.memref_slice %arg4[%add3A_112, %dma_wait3A_119] : memref<16384x4096xf32, #tpu.memory_space<hbm>> -> memref<8x4096xf32, #tpu.memory_space<hbm>>
    %dma_wait3A_121 = tpu.memref_slice %arg8[%dma_wait3A_114] : memref<3x!tpu.dma_semaphore, #tpu.memory_space<semaphore_mem>> -> memref<1x!tpu.dma_semaphore, #tpu.memory_space<semaphore_mem>>
    %dma_wait3A_122 = tpu.memref_squeeze %dma_wait3A_121 : memref<1x!tpu.dma_semaphore, #tpu.memory_space<semaphore_mem>> -> memref<!tpu.dma_semaphore, #tpu.memory_space<semaphore_mem>>
    %dma_wait3A_123 = arith.constant 0 : i32
    %dma_wait3A_124 = tpu.memref_slice %arg4[%add3A_112, %dma_wait3A_123] : memref<16384x4096xf32, #tpu.memory_space<hbm>> -> memref<8x4096xf32, #tpu.memory_space<hbm>>
    %dma_wait3A_125 = arith.constant 0 : i32
    %dma_wait3A_126 = arith.constant 0 : i32
    %dma_wait3A_127 = tpu.memref_slice %arg6[%dma_wait3A_113, %dma_wait3A_125, %dma_wait3A_126] : memref<3x8x4096xf32, #tpu.memory_space<vmem>> -> memref<1x8x4096xf32, #tpu.memory_space<vmem>>
    %dma_wait3A_128 = tpu.memref_squeeze %dma_wait3A_127 : memref<1x8x4096xf32, #tpu.memory_space<vmem>> -> memref<8x4096xf32, #tpu.memory_space<vmem>>
    tpu.wait_dma2 semaphore(%dma_wait3A_122 : memref<!tpu.dma_semaphore, #tpu.memory_space<semaphore_mem>>) src(%dma_wait3A_128 : memref<8x4096xf32, #tpu.memory_space<vmem>>) dst(%dma_wait3A_124 : memref<8x4096xf32, #tpu.memory_space<hbm>>)
    return
  }
}

</mosaic_0001>

<sc_bundles>
// kernel: kernel.3.cloned.1.call-start
scs
__scs_entry_jumppad:
0x0: {  	(pc) =	sbr.rel $0x88, $3  }
0x1: {  	(tag) =	ssettag $0x0;
	lr =	simm.s32 $0x1  }
0x2: {  	[smem:$0x3F9F] =	sst lr;
	_ =	strace $0xD0000000  }
0x3: {  	_ = 	snop  }
0x4: {  	_ = 	snop  }
0x5: {  	_ = 	snop  }
0x6: {  	_ = 	snop  }
0x7: {  	_ = 	snop  }
__scs_overlays_trampoline_lowered:
0x8: {  	[smem:$0x3FAE] =	sst s0  }
0x9: {  	[smem:$0x3FAF] =	sst s1  }
0xa: {  	[smem:$0x3FB0] =	sst s2  }
0xb: {  	[smem:$0x3FB1] =	sst s3  }
0xc: {  	[smem:$0x3FB2] =	sst s4  }
0xd: {  	[smem:$0x3FB3] =	sst s5  }
0xe: {  	[smem:$0x3FB4] =	sst s6  }
0xf: {  	[smem:$0x3FB5] =	sst s7  }
0x10: {  	[smem:$0x3FB6] =	sst s8  }
0x11: {  	[smem:$0x3FB7] =	sst s9;
	s0 =	simm.s32 @!p0 $0x0  }
0x12: {  	s1 =	sld [smem:$0x3F9D];
	s0 =	simm.s32 @p0 $0x1  }
0x13: {  	[smem:$0x3FB8] =	sst s0;
	s0 =	simm.s32 @!p1 $0x0  }
0x14: {  	s2 =	sld [smem:$0x3F9C];
	s0 =	simm.s32 @p1 $0x1  }
0x15: {  	[smem:$0x3FB9] =	sst s0;
	s0 =	simm.s32 @!p2 $0x0  }
0x16: {  	s3 =	sld [smem:$0x3FDB];
	s0 =	simm.s32 @p2 $0x1  }
0x17: {  	s4 =	simm.s32 $0x1BF5;
	[smem:$0x3FBB] =	sst s0  }
0x18: {  	s0 =	sld [smem:$0x3F9E];
	_ =	swait.ge [sflag:s4], $0x0  }
0x19: {  	s7 =	sld [smem:$0x3F9F]  }
0x1a: {  	s8 =	sadd.s32 $0xFFFFE003, lr  }
0x1b: {  	s9 =	sadd.s32 $0xFFFFFEF7, lr;
	s5 =	simm.s32 $0xFFFFFFFF;
	p2 =	slt.u32 s8, $0xFFFFF086  }
0x1c: {  	p1 =	slt.u32 s9, $0xF7A;
	s5 =	simm.s32 @!p2 $0x0  }
0x1d: {  	s5 =	simm.s32 @p1 $0x1;
	p0 =	seq.s32 s7, s2  }
0x1e: {  	s7 =	smul.u32 @!p0 $0xF7A, s2;
	p2 =	seq.s32 @!p0 s5, $0x0  }
0x1f: {  	s9 =	smul.u32 $0xF7A, s1;
	s8 =	simm.s32 @!p0 $0x1BF5;
	p2 =	por !p2, p0  }
0x20: {  	[sflag:s8] =	ssyncset.s32 @!p0 $0xFFFFF086;
	s6 =	sadd.s32 @!p0 s3, s7;
	s7 =	simm.s32 @!p0 $0x108  }
0x21: {  	s3 =	sadd.s32 s3, s9;
	s6 =	sadd.s32 @!p0 $0x88, s6;
	s7 =	simm.s32 @p2 $0x1082  }
0x22: {  	[simem:s7], [sflag:s8] =	dma.local @!p0 [hbm:s6], $0xF7A  }
0x23: {  	s9 =	sor.u32 $0xD0000000, s2;
	s6 =	simm.s32 $0x108;
	_ =	swait.ge @!p0 [sflag:s8], $0x0  }
0x24: {  	s3 =	sadd.s32 $0x88, s3;
	s6 =	simm.s32 @!p1 $0x1082;
	[sflag:s4] =	ssyncset.s32 $0xFFFFF086  }
0x25: {  	[simem:s6], [sflag:s4] =	dma.local [hbm:s3], $0xF7A  }
0x26: {  	[smem:$0x3F9F] =	sst s1;
	(tag) =	ssettag s2;
	_ =	strace s9  }
0x27: {  	s1 =	sld [smem:$0x3FAF]  }
0x28: {  	s2 =	sld [smem:$0x3FB0]  }
0x29: {  	s4 =	sld [smem:$0x3FB2]  }
0x2a: {  	p0 =	seq.s32 s5, $0x0;
	s5 =	sld [smem:$0x3FB3]  }
0x2b: {  	s6 =	sld [smem:$0x3FB4]  }
0x2c: {  	s7 =	sld [smem:$0x3FB5]  }
0x2d: {  	s3 =	simm.s32 $0x108;
	s8 =	sld [smem:$0x3FB6]  }
0x2e: {  	s3 =	simm.s32 @!p0 $0x1082;
	s9 =	sld [smem:$0x3FB7]  }
0x2f: {  	lr =	sadd.s32 s0, s3;
	s0 =	sld [smem:$0x3FAE]  }
0x30: {  	s3 =	sld [smem:$0x3FB1]  }
0x31: {  	[smem:$0x3FBA] =	sst s10  }
0x32: {  	s10 =	sld [smem:$0x3FB8];
	_ =	sdelay $0x3  }
0x33: {  	p0 =	seq.s32 s10, $0x1;
	s10 =	sld [smem:$0x3FBA];
	_ =	sdelay $0x3  }
0x34: {  	[smem:$0x3FBA] =	sst s10  }
0x35: {  	s10 =	sld [smem:$0x3FB9];
	_ =	sdelay $0x3  }
0x36: {  	p1 =	seq.s32 s10, $0x1;
	s10 =	sld [smem:$0x3FBA];
	_ =	sdelay $0x3  }
0x37: {  	[smem:$0x3FBA] =	sst s10  }
0x38: {  	s10 =	sld [smem:$0x3FBB]  }
0x39: {  	_ = 	snop;
	(pc) =	sbr.ind lr, $3  }
0x3a: {  	_ = 	snop  }
0x3b: {  	_ = 	snop  }
0x3c: {  	p2 =	seq.s32 s10, $0x1;
	s10 =	sld [smem:$0x3FBA]  }
0x3d: {  	_ =	shalt  }
0x3e: {  	_ =	shalt  }
0x3f: {  	_ =	shalt  }
0x40: {  	_ =	shalt  }
0x41: {  	_ =	shalt  }
0x42: {  	_ =	shalt  }
0x43: {  	_ =	shalt  }
0x44: {  	_ =	shalt  }
0x45: {  	_ =	shalt  }
0x46: {  	_ =	shalt  }
0x47: {  	_ =	shalt  }
0x48: {  	_ =	shalt  }
0x49: {  	_ =	shalt  }
0x4a: {  	_ =	shalt  }
0x4b: {  	_ =	shalt  }
0x4c: {  	_ =	shalt  }
0x4d: {  	_ =	shalt  }
0x4e: {  	_ =	shalt  }
0x4f: {  	_ =	shalt  }
0x50: {  	_ =	shalt  }
0x51: {  	_ =	shalt  }
0x52: {  	_ =	shalt  }
0x53: {  	_ =	shalt  }
0x54: {  	_ =	shalt  }
0x55: {  	_ =	shalt  }
0x56: {  	_ =	shalt  }
0x57: {  	_ =	shalt  }
0x58: {  	_ =	shalt  }
0x59: {  	_ =	shalt  }
0x5a: {  	_ =	shalt  }
0x5b: {  	_ =	shalt  }
0x5c: {  	_ =	shalt  }
0x5d: {  	_ =	shalt  }
0x5e: {  	_ =	shalt  }
0x5f: {  	_ =	shalt  }
0x60: {  	_ =	shalt  }
0x61: {  	_ =	shalt  }
0x62: {  	_ =	shalt  }
0x63: {  	_ =	shalt  }
0x64: {  	_ =	shalt  }
0x65: {  	_ =	shalt  }
0x66: {  	_ =	shalt  }
0x67: {  	_ =	shalt  }
0x68: {  	_ =	shalt  }
0x69: {  	_ =	shalt  }
0x6a: {  	_ =	shalt  }
0x6b: {  	_ =	shalt  }
0x6c: {  	_ =	shalt  }
0x6d: {  	_ =	shalt  }
0x6e: {  	_ =	shalt  }
0x6f: {  	_ =	shalt  }
0x70: {  	_ =	shalt  }
0x71: {  	_ =	shalt  }
0x72: {  	_ =	shalt  }
0x73: {  	_ =	shalt  }
0x74: {  	_ =	shalt  }
0x75: {  	_ =	shalt  }
0x76: {  	_ =	shalt  }
0x77: {  	_ =	shalt  }
0x78: {  	_ =	shalt  }
0x79: {  	_ =	shalt  }
0x7a: {  	_ =	shalt  }
0x7b: {  	_ =	shalt  }
0x7c: {  	_ =	shalt  }
0x7d: {  	_ =	shalt  }
0x7e: {  	_ =	shalt  }
0x7f: {  	_ =	shalt  }
0x80: {  	_ =	shalt  }
0x81: {  	_ =	shalt  }
0x82: {  	_ =	shalt  }
0x83: {  	_ =	shalt  }
0x84: {  	_ =	shalt  }
0x85: {  	_ =	shalt  }
0x86: {  	_ =	shalt  }
0x87: {  	_ =	shalt  }
.Lfunc_end0:
.L_simem_size_0:
called_computation_lowered:
.L_overlay_start_0:
0x88: {  	s2 =	sld [smem:$0x3FD9]  }
0x89: {  	s3 =	sld [smem:$0x3FFE];
	_ =	sdelay $0x1  }
0x8a: {  	s1 =	srdreg.scid  }
0x8b: {  	s0 =	sand.u32 $0x1, s1  }
0x8c: {  	s17 =	sshll.u32 s0, $0xA;
	s2 =	sadd.s32 s3, s2  }
0x8d: {  	s2 =	sadd.s32 s2, s17  }
0x8e: {  	[smem:$0x3FC6] =	sst s2  }
0x8f: {  	_ = 	snop  }
0x90: {  	s2 =	sld [smem:$0x3FC8]  }
0x91: {  	s18 =	sld [smem:$0x3FD0];
	(tm) =	ssettm $0x1  }
0x92: {  	s4 =	sld [smem:$0x3FFB];
	_ =	sdelay $0x3  }
0x93: {  	_ =	strace s4  }
0x94: {  	s4 =	sld [smem:$0x3FFC];
	_ =	sdelay $0x3  }
0x95: {  	_ =	strace s4  }
0x96: {  	s4 =	sld [smem:$0x3FFD];
	_ =	sdelay $0x3  }
0x97: {  	_ =	strace s4  }
0x98: {  	_ =	strace $0x8FFFFFFF  }
0x99: {  	s19 =	sld [smem:$0x3FDB];
	_ =	sdelay $0x1  }
0x9a: {  	s5 =	simm.s32 $_scs_section_size  }
0x9b: {  	s6 =	simm.s32 $_size__tile_overlayer_lowered;
	s7 =	simm.s32 $_tile_overlayer_lowered  }
0x9c: {  	s22 =	simm.s32 $0x1BFF;
	s21 =	sshll.u32 s7, $0x1;
	s4 =	sadd.s32 s5, s19  }
0x9d: {  	s8 =	simm.s32 $0x0;
	s20 =	sshll.u32 s6, $0x1;
	s6 =	sadd.s32 s21, s4  }
0x9e: {  	[timem:s8], [sflag:s22] =	dma.local [hbm:s6], s20  }
0x9f: {  	_ =	swait.ge [sflag:s22], s20  }
0xa0: {  	s5 =	ssub.s32 $0x0, s20;
	[sflag:s22] =	ssyncset.done $0x0  }
0xa1: {  	[sflag:s22] =	ssyncadd.s32 s5;
	_ =	sdelay $0x1  }
0xa2: {  	s23 =	simm.s32 $0x1B8B  }
0xa3: {  	_ =	swait.ge [sflag:s23], $0x1  }
0xa4: {  	[sflag:s23] =	ssyncset.done $0x0  }
0xa5: {  	s25 =	simm.s32 $0x1B8E;
	s24 =	sld [smem:$0x3FFE];
	[sflag:s23] =	ssyncadd.s32 $0xFFFFFFFF  }
0xa6: {  	s26 =	simm.s32 $execute0_lowered;
	[smem:$0x3FD2] =	sst s25  }
0xa7: {  	s6 =	sshll.u32 s26, $0x1;
	_ =	strace $0x80000046;
	[dreg:$0x1] =	wrdreg $0xFFFFFFFF  }
0xa8: {  	s28 =	simm.s32 $_size_execute0_lowered;
	s4 =	sadd.s32 s4, s6;
	[dreg:$0x0] =	wrdreg $0x0  }
0xa9: {  	s6 =	sshll.u32 s28, $0x1;
	[dreg:$0x2] =	wrdreg s4  }
0xaa: {  	[dreg:$0x3] =	wrdreg s6  }
0xab: {  	[dreg:$0x4] =	wrdreg $0xC0  }
0xac: {  	_ =	task [dreg:s8], $0x5FFFF  }
0xad: {  	[dreg:$0x1] =	wrdreg $0xFFFFFFFF  }
0xae: {  	[dreg:$0x0] =	wrdreg $0x60  }
0xaf: {  	[dreg:$0x2] =	wrdreg s24  }
0xb0: {  	[dreg:$0x3] =	wrdreg s2  }
0xb1: {  	[dreg:$0x4] =	wrdreg s18  }
0xb2: {  	[dreg:$0x5] =	wrdreg $0x9  }
0xb3: {  	_ =	task.clear_ibuf [dreg:s8], $0x6FFFF;
	_ =	strace $0x90000046  }
0xb4: {  	s29 =	simm.s32 $0x9;
	_ =	strace $0x80000048  }
0xb5: {  	_ =	swait.ge [sflag:s29], $0x1  }
0xb6: {  	[sflag:s29] =	ssyncadd.s32 $0xFFFFFFFF  }
0xb7: {  	_ =	strace $0x90000048  }
0xb8: {  	_ =	sfence  }
0xb9: {  	s30 =	sld [smem:$0x0];
	_ =	sdelay $0x2  }
0xba: {  	s31 =	sshll.u32 s1, $0xD;
	s1 =	sshrl.u32 s1, $0x2  }
0xbb: {  	s3 =	sand.u32 $0x4000, s31;
	s1 =	sadd.s32 s1, s30  }
0xbc: {  	s0 =	sor.u32 s3, s0;
	s1 =	sshll.u32 s1, $0x11  }
0xbd: {  	s0 =	sor.u32 s1, s0  }
0xbe: {  	s0 =	sadd.s32 $0x8F2B, s0  }
0xbf: {  	[sflag:s0] =	ssyncadd.remote.s32 $0x1  }
0xc0: {  	_ =	sfence.sel $0xFFFF  }
0xc1: {  	[dreg:$0x0] =	wrdreg $0xFFFFFFFF;
	(pc) =	sbr.abs _section_cstart, $3  }
0xc2: {  	[dreg:$0x1] =	wrdreg $0xFFFFFFFF  }
0xc3: {  	_ =	task.clear_ibuf [dreg:s8], $0x2FFFF;
	_ =	strace $0x9FFFFFFF  }
0xc4: {  	(tm) =	ssettm $0x7FFFFFFF  }
0xc5: {  	_ =	shalt  }
tec
execute0_lowered:
.L_overlay_start_1:
0x0: {  	(tag) =	ssettag $0x1  }
0x1: {  	s0 =	rddreg [dreg:$0x0]  }
0x2: {  	s1 =	srdreg.scid;
	s2 =	rddreg [dreg:$0x1]  }
0x3: {  	s21 =	stileid.u32;
	s4 =	rddreg [dreg:$0x2];
	s29 =	simm.s32 $0x8200  }
0x4: {  	s30 =	simm.s32 $0x10200;
	s31 =	simm.s32 $0x17A00;
	s23 =	simm.s32 $0x5  }
0x5: {  	s24 =	simm.s32 $0x0;
	s1 =	sand.u32 $0x1, s1;
	s3 =	sshll.u32 s21, $0xA  }
0x6: {  	s7 =	sadd.s32 $0x300, s2;
	s8 =	sadd.s32 $0x400, s2;
	s9 =	sadd.s32 $0x500, s2  }
0x7: {  	s10 =	sadd.s32 $0x600, s2;
	s11 =	sadd.s32 $0x700, s2;
	s12 =	sadd.s32 $0x800, s2  }
0x8: {  	s13 =	sadd.s32 $0x900, s2;
	s14 =	sadd.s32 $0xA00, s2;
	s15 =	sadd.s32 $0xB00, s2  }
0x9: {  	s16 =	sadd.s32 $0xC00, s2;
	s17 =	sadd.s32 $0xD00, s2;
	s18 =	sadd.s32 $0xE00, s2  }
0xa: {  	s21 =	sshll.u32 s21, $0x13;
	s5 =	sshll.u32 s1, $0x9;
	s6 =	ssub.s32 $0x2, s1  }
0xb: {  	s1 =	sshll.u32 s1, $0x12;
	s19 =	sor.u32 s5, s3;
	s3 =	simm.s32 $0x0  }
0xc: {  	s25 =	sshrl.u32 s6, $0x1;
	s5 =	sshrl.u32 s19, $0x3;
	[smem:$0x7FF] =	sst s3  }
0xd: {  	s20 =	ssub.s32 s6, s25;
	s6 =	sadd.s32 $0x200, s2;
	s26 =	sshll.u32 s19, $0x9  }
0xe: {  	s19 =	sadd.s32 $0xF00, s2;
	s0 =	sadd.s32 s5, s0;
	s20 =	smax.u32 s20, $0x1  }
0xf: {  	_ =	strace $0x80000047;
	s0 =	sadd.s32 $0x400, s0;
	[dreg:$0x6] =	wrdreg s20  }
0x10: {  	s25 =	simm.s32 $0x200;
	s5 =	sadd.s32 $0x100, s2;
	[dreg:$0x4] =	wrdreg s0  }
.Ltmp0:
0x11: {  	s0 =	sadd.s32 s26, s4;
	s4 =	sadd.s32 s21, s4;
	(pc) =	sbr.rel .LBB2_1-.Ltmp0, $4  }
0x12: {  	s21 =	simm.s32 $0x1;
	s22 =	sadd.s32 $0x3F000, s0;
	s0 =	sadd.s32 $0x3E000, s0  }
0x13: {  	v0 =	vlaneseq.u32;
	s28 =	sadd.s32 s1, s4;
	s1 =	simm.s32 $0x4;
	[dreg:$0x5] =	wrdreg s22  }
0x14: {  	v1 =	vshrl.u32 v0, $0x3;
	s4 =	simm.s32 $0x6;
	[dreg:$0x7] =	wrdreg s0;
	s0 =	sadd.s32 $0x2000, s28  }
0x15: {  	vm0 =	vmmov $0xffff;
	v0 =	vand.u32 $0x7, v0;
	v1 =	vmul.u32 $0x8, v1;
	s22 =	simm.s32 $0x2;
	[dreg:$0x8] =	wrdreg s0;
	s0 =	simm.s32 $0x3  }
.LBB2_4:
0x16: {  	_ =	swait.ge [sflag:s0], $0x8000  }
0x17: {  	[sflag:s0] =	ssyncset.done $0x0  }
0x18: {  	s20 =	rddreg [dreg:$0x7];
	[sflag:s0] =	ssyncadd.s32 $0xFFFF8000  }
0x19: {  	[hbm4b:s20+s3] =	stream.linear.scatter [tilespmem:s30], [sflag:$0x6], $0x8000, $0x38;
	[tilespmem:$0x18200] =	vst v63  }
0x1a: {  	_ =	swait.ge [sflag:s21], $0x8000  }
0x1b: {  	[sflag:s21] =	ssyncset.done $0x0  }
0x1c: {  	s26 =	rddreg [dreg:$0x5];
	[sflag:s21] =	ssyncadd.s32 $0xFFFF8000  }
0x1d: {  	[hbm4b:s26+s3] =	stream.linear.scatter [tilespmem:s25], [sflag:$0x4], $0x8000, $0x38;
	[tilespmem:$0x18200] =	vst v63  }
0x1e: {  	_ =	swait.ge [sflag:s23], $0x8000  }
0x1f: {  	[sflag:s23] =	ssyncset.done $0x0  }
0x20: {  	[sflag:s23] =	ssyncadd.s32 $0xFFFF8000  }
0x21: {  	_ =	swait.ge [sflag:s4], $0x8000  }
0x22: {  	[sflag:s4] =	ssyncset.done $0x0  }
0x23: {  	[sflag:s4] =	ssyncadd.s32 $0xFFFF8000  }
0x24: {  	_ =	swait.ge [sflag:s1], $0x8000  }
0x25: {  	s24 =	rddreg [dreg:$0x9]  }
0x26: {  	s28 =	rddreg [dreg:$0x6];
	s24 =	sadd.s32 $0x1, s24  }
0x27: {  	p0 =	sne.s32 s24, s28  }
.Ltmp1:
0x28: {  	_ = 	snop;
	(pc) =	sbr.rel @!p0 .LBB2_5-.Ltmp1, $3  }
0x29: {  	_ =	sdelay $0x1  }
0x2a: {  	[sflag:s1] =	ssyncset.done $0x0  }
0x2b: {  	[sflag:s1] =	ssyncadd.s32 $0xFFFF8000  }
.LBB2_1:
0x2c: {  	[dreg:$0x9] =	wrdreg s24  }
0x2d: {  	s20 =	rddreg [dreg:$0x4];
	s24 =	simm.s32 $0x7  }
0x2e: {  	[tilespmem:s3], [sflag:$0x7] =	stream.linear.gather [hbm4b:s20+s3], $0x200, $0x38;
	[tilespmem:$0x18200] =	vst v63  }
0x2f: {  	_ =	swait.ge [sflag:s24], $0x200  }
0x30: {  	[sflag:s24] =	ssyncset.done $0x0  }
0x31: {  	[sflag:s24] =	ssyncadd.s32 $0xFFFFFE00  }
0x32: {  	v2 =	vld.msk [tilespmem:$0x0], $0xff;
	_ =	sdelay $0x4  }
0x33: {  	v3 =	vshll.u32 v2, $0x5  }
0x34: {  	v2 =	vand.u32 $0x7, v2;
	v3 =	vand.u32 $0xFFFFFF00, v3  }
0x35: {  	v2 =	vor.u32 v2, v3  }
0x36: {  	v2 =	vperm.xlane v2, v0;
	_ =	sdelay $0x1  }
0x37: {  	v2 =	vadd.s32 v1, v2;
	_ =	sdelay $0x4  }
0x38: {  	[tilespmem:s25], [sflag:$0x1] =	stream.indirect_vreg.gather [hbm4b:s2+s3], $0x80, v2, vm0, $0xb8;
	[tilespmem:$0x18200] =	vst v63  }
0x39: {  	s26 =	simm.s32 $0xA00  }
0x3a: {  	[tilespmem:s26], [sflag:$0x1] =	stream.indirect_vreg.gather [hbm4b:s5+s3], $0x80, v2, vm0, $0xb8;
	[tilespmem:$0x18200] =	vst v63  }
0x3b: {  	s28 =	simm.s32 $0x1200  }
0x3c: {  	[tilespmem:s28], [sflag:$0x1] =	stream.indirect_vreg.gather [hbm4b:s6+s3], $0x80, v2, vm0, $0xb8;
	[tilespmem:$0x18200] =	vst v63  }
0x3d: {  	s24 =	simm.s32 $0x1A00  }
0x3e: {  	[tilespmem:s24], [sflag:$0x1] =	stream.indirect_vreg.gather [hbm4b:s7+s3], $0x80, v2, vm0, $0xb8;
	[tilespmem:$0x18200] =	vst v63  }
0x3f: {  	s26 =	simm.s32 $0x2200  }
0x40: {  	[tilespmem:s26], [sflag:$0x1] =	stream.indirect_vreg.gather [hbm4b:s8+s3], $0x80, v2, vm0, $0xb8;
	[tilespmem:$0x18200] =	vst v63  }
0x41: {  	s28 =	simm.s32 $0x2A00  }
0x42: {  	[tilespmem:s28], [sflag:$0x1] =	stream.indirect_vreg.gather [hbm4b:s9+s3], $0x80, v2, vm0, $0xb8;
	[tilespmem:$0x18200] =	vst v63  }
0x43: {  	s24 =	simm.s32 $0x3200  }
0x44: {  	[tilespmem:s24], [sflag:$0x1] =	stream.indirect_vreg.gather [hbm4b:s10+s3], $0x80, v2, vm0, $0xb8;
	[tilespmem:$0x18200] =	vst v63  }
0x45: {  	s26 =	simm.s32 $0x3A00  }
0x46: {  	[tilespmem:s26], [sflag:$0x1] =	stream.indirect_vreg.gather [hbm4b:s11+s3], $0x80, v2, vm0, $0xb8;
	[tilespmem:$0x18200] =	vst v63  }
0x47: {  	s28 =	simm.s32 $0x4200  }
0x48: {  	[tilespmem:s28], [sflag:$0x1] =	stream.indirect_vreg.gather [hbm4b:s12+s3], $0x80, v2, vm0, $0xb8;
	[tilespmem:$0x18200] =	vst v63  }
0x49: {  	s24 =	simm.s32 $0x4A00  }
0x4a: {  	[tilespmem:s24], [sflag:$0x1] =	stream.indirect_vreg.gather [hbm4b:s13+s3], $0x80, v2, vm0, $0xb8;
	[tilespmem:$0x18200] =	vst v63  }
0x4b: {  	s26 =	simm.s32 $0x5200  }
0x4c: {  	[tilespmem:s26], [sflag:$0x1] =	stream.indirect_vreg.gather [hbm4b:s14+s3], $0x80, v2, vm0, $0xb8;
	[tilespmem:$0x18200] =	vst v63  }
0x4d: {  	s28 =	simm.s32 $0x5A00  }
0x4e: {  	[tilespmem:s28], [sflag:$0x1] =	stream.indirect_vreg.gather [hbm4b:s15+s3], $0x80, v2, vm0, $0xb8;
	[tilespmem:$0x18200] =	vst v63  }
0x4f: {  	s24 =	simm.s32 $0x6200  }
0x50: {  	[tilespmem:s24], [sflag:$0x1] =	stream.indirect_vreg.gather [hbm4b:s16+s3], $0x80, v2, vm0, $0xb8;
	[tilespmem:$0x18200] =	vst v63  }
0x51: {  	s26 =	simm.s32 $0x6A00  }
0x52: {  	[tilespmem:s26], [sflag:$0x1] =	stream.indirect_vreg.gather [hbm4b:s17+s3], $0x80, v2, vm0, $0xb8;
	[tilespmem:$0x18200] =	vst v63  }
0x53: {  	s28 =	simm.s32 $0x7200  }
0x54: {  	[tilespmem:s28], [sflag:$0x1] =	stream.indirect_vreg.gather [hbm4b:s18+s3], $0x80, v2, vm0, $0xb8;
	[tilespmem:$0x18200] =	vst v63  }
0x55: {  	s24 =	simm.s32 $0x7A00  }
0x56: {  	[tilespmem:s24], [sflag:$0x1] =	stream.indirect_vreg.gather [hbm4b:s19+s3], $0x80, v2, vm0, $0xb8;
	[tilespmem:$0x18200] =	vst v63  }
0x57: {  	v2 =	vld.msk [tilespmem:$0x8], $0xff;
	_ =	sdelay $0x4  }
0x58: {  	v3 =	vshll.u32 v2, $0x5  }
0x59: {  	v2 =	vand.u32 $0x7, v2;
	v3 =	vand.u32 $0xFFFFFF00, v3  }
0x5a: {  	v2 =	vor.u32 v2, v3  }
0x5b: {  	v2 =	vperm.xlane v2, v0;
	_ =	sdelay $0x1  }
0x5c: {  	v2 =	vadd.s32 v1, v2;
	_ =	sdelay $0x4  }
0x5d: {  	[tilespmem:s29], [sflag:$0x2] =	stream.indirect_vreg.gather [hbm4b:s2+s3], $0x80, v2, vm0, $0xb8;
	[tilespmem:$0x18200] =	vst v63  }
0x5e: {  	s26 =	simm.s32 $0x8A00  }
0x5f: {  	[tilespmem:s26], [sflag:$0x2] =	stream.indirect_vreg.gather [hbm4b:s5+s3], $0x80, v2, vm0, $0xb8;
	[tilespmem:$0x18200] =	vst v63  }
0x60: {  	s28 =	simm.s32 $0x9200  }
0x61: {  	[tilespmem:s28], [sflag:$0x2] =	stream.indirect_vreg.gather [hbm4b:s6+s3], $0x80, v2, vm0, $0xb8;
	[tilespmem:$0x18200] =	vst v63  }
0x62: {  	s24 =	simm.s32 $0x9A00  }
0x63: {  	[tilespmem:s24], [sflag:$0x2] =	stream.indirect_vreg.gather [hbm4b:s7+s3], $0x80, v2, vm0, $0xb8;
	[tilespmem:$0x18200] =	vst v63  }
0x64: {  	s26 =	simm.s32 $0xA200  }
0x65: {  	[tilespmem:s26], [sflag:$0x2] =	stream.indirect_vreg.gather [hbm4b:s8+s3], $0x80, v2, vm0, $0xb8;
	[tilespmem:$0x18200] =	vst v63  }
0x66: {  	s28 =	simm.s32 $0xAA00  }
0x67: {  	[tilespmem:s28], [sflag:$0x2] =	stream.indirect_vreg.gather [hbm4b:s9+s3], $0x80, v2, vm0, $0xb8;
	[tilespmem:$0x18200] =	vst v63  }
0x68: {  	s24 =	simm.s32 $0xB200  }
0x69: {  	[tilespmem:s24], [sflag:$0x2] =	stream.indirect_vreg.gather [hbm4b:s10+s3], $0x80, v2, vm0, $0xb8;
	[tilespmem:$0x18200] =	vst v63  }
0x6a: {  	s26 =	simm.s32 $0xBA00  }
0x6b: {  	[tilespmem:s26], [sflag:$0x2] =	stream.indirect_vreg.gather [hbm4b:s11+s3], $0x80, v2, vm0, $0xb8;
	[tilespmem:$0x18200] =	vst v63  }
0x6c: {  	s28 =	simm.s32 $0xC200  }
0x6d: {  	[tilespmem:s28], [sflag:$0x2] =	stream.indirect_vreg.gather [hbm4b:s12+s3], $0x80, v2, vm0, $0xb8;
	[tilespmem:$0x18200] =	vst v63  }
0x6e: {  	s24 =	simm.s32 $0xCA00  }
0x6f: {  	[tilespmem:s24], [sflag:$0x2] =	stream.indirect_vreg.gather [hbm4b:s13+s3], $0x80, v2, vm0, $0xb8;
	[tilespmem:$0x18200] =	vst v63  }
0x70: {  	s26 =	simm.s32 $0xD200  }
0x71: {  	[tilespmem:s26], [sflag:$0x2] =	stream.indirect_vreg.gather [hbm4b:s14+s3], $0x80, v2, vm0, $0xb8;
	[tilespmem:$0x18200] =	vst v63  }
0x72: {  	s28 =	simm.s32 $0xDA00  }
0x73: {  	[tilespmem:s28], [sflag:$0x2] =	stream.indirect_vreg.gather [hbm4b:s15+s3], $0x80, v2, vm0, $0xb8;
	[tilespmem:$0x18200] =	vst v63  }
0x74: {  	s24 =	simm.s32 $0xE200  }
0x75: {  	[tilespmem:s24], [sflag:$0x2] =	stream.indirect_vreg.gather [hbm4b:s16+s3], $0x80, v2, vm0, $0xb8;
	[tilespmem:$0x18200] =	vst v63  }
0x76: {  	s26 =	simm.s32 $0xEA00  }
0x77: {  	[tilespmem:s26], [sflag:$0x2] =	stream.indirect_vreg.gather [hbm4b:s17+s3], $0x80, v2, vm0, $0xb8;
	[tilespmem:$0x18200] =	vst v63  }
0x78: {  	s28 =	simm.s32 $0xF200  }
0x79: {  	[tilespmem:s28], [sflag:$0x2] =	stream.indirect_vreg.gather [hbm4b:s18+s3], $0x80, v2, vm0, $0xb8;
	[tilespmem:$0x18200] =	vst v63  }
0x7a: {  	s24 =	simm.s32 $0xFA00  }
0x7b: {  	[tilespmem:s24], [sflag:$0x2] =	stream.indirect_vreg.gather [hbm4b:s19+s3], $0x80, v2, vm0, $0xb8;
	[tilespmem:$0x18200] =	vst v63  }
0x7c: {  	v2 =	vld.msk [tilespmem:$0x10], $0xff;
	_ =	sdelay $0x4  }
0x7d: {  	v3 =	vshll.u32 v2, $0x5  }
0x7e: {  	v2 =	vand.u32 $0x7, v2;
	v3 =	vand.u32 $0xFFFFFF00, v3  }
0x7f: {  	v2 =	vor.u32 v2, v3  }
0x80: {  	v2 =	vperm.xlane v2, v0;
	_ =	sdelay $0x1  }
0x81: {  	v2 =	vadd.s32 v1, v2;
	_ =	sdelay $0x4  }
0x82: {  	[tilespmem:s30], [sflag:$0x3] =	stream.indirect_vreg.gather [hbm4b:s2+s3], $0x80, v2, vm0, $0xb8;
	[tilespmem:$0x18200] =	vst v63  }
0x83: {  	s26 =	simm.s32 $0x10A00  }
0x84: {  	[tilespmem:s26], [sflag:$0x3] =	stream.indirect_vreg.gather [hbm4b:s5+s3], $0x80, v2, vm0, $0xb8;
	[tilespmem:$0x18200] =	vst v63  }
0x85: {  	s28 =	simm.s32 $0x11200  }
0x86: {  	[tilespmem:s28], [sflag:$0x3] =	stream.indirect_vreg.gather [hbm4b:s6+s3], $0x80, v2, vm0, $0xb8;
	[tilespmem:$0x18200] =	vst v63  }
0x87: {  	s24 =	simm.s32 $0x11A00  }
0x88: {  	[tilespmem:s24], [sflag:$0x3] =	stream.indirect_vreg.gather [hbm4b:s7+s3], $0x80, v2, vm0, $0xb8;
	[tilespmem:$0x18200] =	vst v63  }
0x89: {  	s26 =	simm.s32 $0x12200  }
0x8a: {  	[tilespmem:s26], [sflag:$0x3] =	stream.indirect_vreg.gather [hbm4b:s8+s3], $0x80, v2, vm0, $0xb8;
	[tilespmem:$0x18200] =	vst v63  }
0x8b: {  	s28 =	simm.s32 $0x12A00  }
0x8c: {  	[tilespmem:s28], [sflag:$0x3] =	stream.indirect_vreg.gather [hbm4b:s9+s3], $0x80, v2, vm0, $0xb8;
	[tilespmem:$0x18200] =	vst v63  }
0x8d: {  	s24 =	simm.s32 $0x13200  }
0x8e: {  	[tilespmem:s24], [sflag:$0x3] =	stream.indirect_vreg.gather [hbm4b:s10+s3], $0x80, v2, vm0, $0xb8;
	[tilespmem:$0x18200] =	vst v63  }
0x8f: {  	s26 =	simm.s32 $0x13A00  }
0x90: {  	[tilespmem:s26], [sflag:$0x3] =	stream.indirect_vreg.gather [hbm4b:s11+s3], $0x80, v2, vm0, $0xb8;
	[tilespmem:$0x18200] =	vst v63  }
0x91: {  	s28 =	simm.s32 $0x14200  }
0x92: {  	[tilespmem:s28], [sflag:$0x3] =	stream.indirect_vreg.gather [hbm4b:s12+s3], $0x80, v2, vm0, $0xb8;
	[tilespmem:$0x18200] =	vst v63  }
0x93: {  	s24 =	simm.s32 $0x14A00  }
0x94: {  	[tilespmem:s24], [sflag:$0x3] =	stream.indirect_vreg.gather [hbm4b:s13+s3], $0x80, v2, vm0, $0xb8;
	[tilespmem:$0x18200] =	vst v63  }
0x95: {  	s26 =	simm.s32 $0x15200  }
0x96: {  	[tilespmem:s26], [sflag:$0x3] =	stream.indirect_vreg.gather [hbm4b:s14+s3], $0x80, v2, vm0, $0xb8;
	[tilespmem:$0x18200] =	vst v63  }
0x97: {  	s28 =	simm.s32 $0x15A00  }
0x98: {  	[tilespmem:s28], [sflag:$0x3] =	stream.indirect_vreg.gather [hbm4b:s15+s3], $0x80, v2, vm0, $0xb8;
	[tilespmem:$0x18200] =	vst v63  }
0x99: {  	s24 =	simm.s32 $0x16200  }
0x9a: {  	[tilespmem:s24], [sflag:$0x3] =	stream.indirect_vreg.gather [hbm4b:s16+s3], $0x80, v2, vm0, $0xb8;
	[tilespmem:$0x18200] =	vst v63  }
0x9b: {  	s26 =	simm.s32 $0x16A00  }
0x9c: {  	[tilespmem:s26], [sflag:$0x3] =	stream.indirect_vreg.gather [hbm4b:s17+s3], $0x80, v2, vm0, $0xb8;
	[tilespmem:$0x18200] =	vst v63  }
0x9d: {  	s28 =	simm.s32 $0x17200  }
0x9e: {  	[tilespmem:s28], [sflag:$0x3] =	stream.indirect_vreg.gather [hbm4b:s18+s3], $0x80, v2, vm0, $0xb8;
	[tilespmem:$0x18200] =	vst v63  }
0x9f: {  	s24 =	simm.s32 $0x0;
	s26 =	rddreg [dreg:$0x8]  }
0xa0: {  	[tilespmem:s31], [sflag:$0x3] =	stream.indirect_vreg.gather [hbm4b:s19+s3], $0x80, v2, vm0, $0xb8;
	[tilespmem:$0x18200] =	vst v63  }
.LBB2_2:
0xa1: {  	_ =	swait.ge [sflag:s21], $0x8000  }
0xa2: {  	[sflag:s21] =	ssyncset.done $0x0  }
0xa3: {  	s20 =	sadd.s32 $0xFFFFE000, s26;
	[sflag:s21] =	ssyncadd.s32 $0xFFFF8000  }
0xa4: {  	[hbm4b:s20+s3] =	stream.linear.scatter [tilespmem:s25], [sflag:$0x4], $0x8000, $0x38;
	[tilespmem:$0x18200] =	vst v63  }
0xa5: {  	_ =	swait.ge [sflag:s1], $0x8000  }
0xa6: {  	[sflag:s1] =	ssyncset.done $0x0  }
0xa7: {  	s20 =	sshra.s32 s24, $0x2;
	[sflag:s1] =	ssyncadd.s32 $0xFFFF8000  }
0xa8: {  	v2 =	vld.msk [tilespmem:s20+$0x18], $0xff;
	_ =	sdelay $0x4  }
0xa9: {  	v3 =	vshll.u32 v2, $0x5  }
0xaa: {  	v2 =	vand.u32 $0x7, v2;
	v3 =	vand.u32 $0xFFFFFF00, v3  }
0xab: {  	v2 =	vor.u32 v2, v3  }
0xac: {  	v2 =	vperm.xlane v2, v0;
	_ =	sdelay $0x1  }
0xad: {  	v2 =	vadd.s32 v1, v2;
	_ =	sdelay $0x4  }
0xae: {  	[tilespmem:s25], [sflag:$0x1] =	stream.indirect_vreg.gather [hbm4b:s2+s3], $0x80, v2, vm0, $0xb8;
	[tilespmem:$0x18200] =	vst v63  }
0xaf: {  	s28 =	simm.s32 $0xA00  }
0xb0: {  	[tilespmem:s28], [sflag:$0x1] =	stream.indirect_vreg.gather [hbm4b:s5+s3], $0x80, v2, vm0, $0xb8;
	[tilespmem:$0x18200] =	vst v63  }
0xb1: {  	s28 =	simm.s32 $0x1200  }
0xb2: {  	[tilespmem:s28], [sflag:$0x1] =	stream.indirect_vreg.gather [hbm4b:s6+s3], $0x80, v2, vm0, $0xb8;
	[tilespmem:$0x18200] =	vst v63  }
0xb3: {  	s28 =	simm.s32 $0x1A00  }
0xb4: {  	[tilespmem:s28], [sflag:$0x1] =	stream.indirect_vreg.gather [hbm4b:s7+s3], $0x80, v2, vm0, $0xb8;
	[tilespmem:$0x18200] =	vst v63  }
0xb5: {  	s28 =	simm.s32 $0x2200  }
0xb6: {  	[tilespmem:s28], [sflag:$0x1] =	stream.indirect_vreg.gather [hbm4b:s8+s3], $0x80, v2, vm0, $0xb8;
	[tilespmem:$0x18200] =	vst v63  }
0xb7: {  	s28 =	simm.s32 $0x2A00  }
0xb8: {  	[tilespmem:s28], [sflag:$0x1] =	stream.indirect_vreg.gather [hbm4b:s9+s3], $0x80, v2, vm0, $0xb8;
	[tilespmem:$0x18200] =	vst v63  }
0xb9: {  	s28 =	simm.s32 $0x3200  }
0xba: {  	[tilespmem:s28], [sflag:$0x1] =	stream.indirect_vreg.gather [hbm4b:s10+s3], $0x80, v2, vm0, $0xb8;
	[tilespmem:$0x18200] =	vst v63  }
0xbb: {  	s28 =	simm.s32 $0x3A00  }
0xbc: {  	[tilespmem:s28], [sflag:$0x1] =	stream.indirect_vreg.gather [hbm4b:s11+s3], $0x80, v2, vm0, $0xb8;
	[tilespmem:$0x18200] =	vst v63  }
0xbd: {  	s28 =	simm.s32 $0x4200  }
0xbe: {  	[tilespmem:s28], [sflag:$0x1] =	stream.indirect_vreg.gather [hbm4b:s12+s3], $0x80, v2, vm0, $0xb8;
	[tilespmem:$0x18200] =	vst v63  }
0xbf: {  	s28 =	simm.s32 $0x4A00  }
0xc0: {  	[tilespmem:s28], [sflag:$0x1] =	stream.indirect_vreg.gather [hbm4b:s13+s3], $0x80, v2, vm0, $0xb8;
	[tilespmem:$0x18200] =	vst v63  }
0xc1: {  	s28 =	simm.s32 $0x5200  }
0xc2: {  	[tilespmem:s28], [sflag:$0x1] =	stream.indirect_vreg.gather [hbm4b:s14+s3], $0x80, v2, vm0, $0xb8;
	[tilespmem:$0x18200] =	vst v63  }
0xc3: {  	s28 =	simm.s32 $0x5A00  }
0xc4: {  	[tilespmem:s28], [sflag:$0x1] =	stream.indirect_vreg.gather [hbm4b:s15+s3], $0x80, v2, vm0, $0xb8;
	[tilespmem:$0x18200] =	vst v63  }
0xc5: {  	s28 =	simm.s32 $0x6200  }
0xc6: {  	[tilespmem:s28], [sflag:$0x1] =	stream.indirect_vreg.gather [hbm4b:s16+s3], $0x80, v2, vm0, $0xb8;
	[tilespmem:$0x18200] =	vst v63  }
0xc7: {  	s28 =	simm.s32 $0x6A00  }
0xc8: {  	[tilespmem:s28], [sflag:$0x1] =	stream.indirect_vreg.gather [hbm4b:s17+s3], $0x80, v2, vm0, $0xb8;
	[tilespmem:$0x18200] =	vst v63  }
0xc9: {  	s28 =	simm.s32 $0x7200  }
0xca: {  	[tilespmem:s28], [sflag:$0x1] =	stream.indirect_vreg.gather [hbm4b:s18+s3], $0x80, v2, vm0, $0xb8;
	[tilespmem:$0x18200] =	vst v63  }
0xcb: {  	p0 =	seq.s32 s24, $0x780;
	s28 =	simm.s32 $0x7A00  }
0xcc: {  	[tilespmem:s28], [sflag:$0x1] =	stream.indirect_vreg.gather [hbm4b:s19+s3], $0x80, v2, vm0, $0xb8;
	[tilespmem:$0x18200] =	vst v63  }
.Ltmp2:
0xcd: {  	_ = 	snop;
	(pc) =	sbr.rel @p0 .LBB2_4-.Ltmp2, $4  }
0xce: {  	_ =	swait.ge [sflag:s22], $0x8000  }
0xcf: {  	[sflag:s22] =	ssyncset.done $0x0  }
0xd0: {  	s28 =	sadd.s32 $0xFFFFF000, s26;
	[sflag:s22] =	ssyncadd.s32 $0xFFFF8000  }
0xd1: {  	[hbm4b:s28+s3] =	stream.linear.scatter [tilespmem:s29], [sflag:$0x5], $0x8000, $0x38;
	[tilespmem:$0x18200] =	vst v63  }
0xd2: {  	_ =	swait.ge [sflag:s23], $0x8000  }
0xd3: {  	[sflag:s23] =	ssyncset.done $0x0  }
0xd4: {  	[sflag:s23] =	ssyncadd.s32 $0xFFFF8000  }
0xd5: {  	v2 =	vld.msk [tilespmem:s20+$0x20], $0xff;
	_ =	sdelay $0x4  }
0xd6: {  	v3 =	vshll.u32 v2, $0x5  }
0xd7: {  	v2 =	vand.u32 $0x7, v2;
	v3 =	vand.u32 $0xFFFFFF00, v3  }
0xd8: {  	v2 =	vor.u32 v2, v3  }
0xd9: {  	v2 =	vperm.xlane v2, v0;
	_ =	sdelay $0x1  }
0xda: {  	v2 =	vadd.s32 v1, v2;
	_ =	sdelay $0x4  }
0xdb: {  	[tilespmem:s29], [sflag:$0x2] =	stream.indirect_vreg.gather [hbm4b:s2+s3], $0x80, v2, vm0, $0xb8;
	[tilespmem:$0x18200] =	vst v63  }
0xdc: {  	s28 =	simm.s32 $0x8A00  }
0xdd: {  	[tilespmem:s28], [sflag:$0x2] =	stream.indirect_vreg.gather [hbm4b:s5+s3], $0x80, v2, vm0, $0xb8;
	[tilespmem:$0x18200] =	vst v63  }
0xde: {  	s28 =	simm.s32 $0x9200  }
0xdf: {  	[tilespmem:s28], [sflag:$0x2] =	stream.indirect_vreg.gather [hbm4b:s6+s3], $0x80, v2, vm0, $0xb8;
	[tilespmem:$0x18200] =	vst v63  }
0xe0: {  	s28 =	simm.s32 $0x9A00  }
0xe1: {  	[tilespmem:s28], [sflag:$0x2] =	stream.indirect_vreg.gather [hbm4b:s7+s3], $0x80, v2, vm0, $0xb8;
	[tilespmem:$0x18200] =	vst v63  }
0xe2: {  	s28 =	simm.s32 $0xA200  }
0xe3: {  	[tilespmem:s28], [sflag:$0x2] =	stream.indirect_vreg.gather [hbm4b:s8+s3], $0x80, v2, vm0, $0xb8;
	[tilespmem:$0x18200] =	vst v63  }
0xe4: {  	s28 =	simm.s32 $0xAA00  }
0xe5: {  	[tilespmem:s28], [sflag:$0x2] =	stream.indirect_vreg.gather [hbm4b:s9+s3], $0x80, v2, vm0, $0xb8;
	[tilespmem:$0x18200] =	vst v63  }
0xe6: {  	s28 =	simm.s32 $0xB200  }
0xe7: {  	[tilespmem:s28], [sflag:$0x2] =	stream.indirect_vreg.gather [hbm4b:s10+s3], $0x80, v2, vm0, $0xb8;
	[tilespmem:$0x18200] =	vst v63  }
0xe8: {  	s28 =	simm.s32 $0xBA00  }
0xe9: {  	[tilespmem:s28], [sflag:$0x2] =	stream.indirect_vreg.gather [hbm4b:s11+s3], $0x80, v2, vm0, $0xb8;
	[tilespmem:$0x18200] =	vst v63  }
0xea: {  	s28 =	simm.s32 $0xC200  }
0xeb: {  	[tilespmem:s28], [sflag:$0x2] =	stream.indirect_vreg.gather [hbm4b:s12+s3], $0x80, v2, vm0, $0xb8;
	[tilespmem:$0x18200] =	vst v63  }
0xec: {  	s28 =	simm.s32 $0xCA00  }
0xed: {  	[tilespmem:s28], [sflag:$0x2] =	stream.indirect_vreg.gather [hbm4b:s13+s3], $0x80, v2, vm0, $0xb8;
	[tilespmem:$0x18200] =	vst v63  }
0xee: {  	s28 =	simm.s32 $0xD200  }
0xef: {  	[tilespmem:s28], [sflag:$0x2] =	stream.indirect_vreg.gather [hbm4b:s14+s3], $0x80, v2, vm0, $0xb8;
	[tilespmem:$0x18200] =	vst v63  }
0xf0: {  	s28 =	simm.s32 $0xDA00  }
0xf1: {  	[tilespmem:s28], [sflag:$0x2] =	stream.indirect_vreg.gather [hbm4b:s15+s3], $0x80, v2, vm0, $0xb8;
	[tilespmem:$0x18200] =	vst v63  }
0xf2: {  	s28 =	simm.s32 $0xE200  }
0xf3: {  	[tilespmem:s28], [sflag:$0x2] =	stream.indirect_vreg.gather [hbm4b:s16+s3], $0x80, v2, vm0, $0xb8;
	[tilespmem:$0x18200] =	vst v63  }
0xf4: {  	s28 =	simm.s32 $0xEA00  }
0xf5: {  	[tilespmem:s28], [sflag:$0x2] =	stream.indirect_vreg.gather [hbm4b:s17+s3], $0x80, v2, vm0, $0xb8;
	[tilespmem:$0x18200] =	vst v63  }
0xf6: {  	s28 =	simm.s32 $0xF200  }
0xf7: {  	[tilespmem:s28], [sflag:$0x2] =	stream.indirect_vreg.gather [hbm4b:s18+s3], $0x80, v2, vm0, $0xb8;
	[tilespmem:$0x18200] =	vst v63  }
0xf8: {  	s28 =	simm.s32 $0xFA00  }
0xf9: {  	[tilespmem:s28], [sflag:$0x2] =	stream.indirect_vreg.gather [hbm4b:s19+s3], $0x80, v2, vm0, $0xb8;
	[tilespmem:$0x18200] =	vst v63  }
0xfa: {  	_ =	swait.ge [sflag:s0], $0x8000  }
0xfb: {  	[sflag:s0] =	ssyncset.done $0x0  }
0xfc: {  	[sflag:s0] =	ssyncadd.s32 $0xFFFF8000  }
0xfd: {  	[hbm4b:s26+s3] =	stream.linear.scatter [tilespmem:s30], [sflag:$0x6], $0x8000, $0x38;
	[tilespmem:$0x18200] =	vst v63  }
0xfe: {  	_ =	swait.ge [sflag:s4], $0x8000  }
0xff: {  	[sflag:s4] =	ssyncset.done $0x0  }
0x100: {  	[sflag:s4] =	ssyncadd.s32 $0xFFFF8000  }
0x101: {  	v2 =	vld.msk [tilespmem:s20+$0x28], $0xff;
	_ =	sdelay $0x4  }
0x102: {  	v3 =	vshll.u32 v2, $0x5  }
0x103: {  	v2 =	vand.u32 $0x7, v2;
	v3 =	vand.u32 $0xFFFFFF00, v3  }
0x104: {  	v2 =	vor.u32 v2, v3  }
0x105: {  	v2 =	vperm.xlane v2, v0;
	_ =	sdelay $0x1  }
0x106: {  	v2 =	vadd.s32 v1, v2;
	_ =	sdelay $0x4  }
0x107: {  	[tilespmem:s30], [sflag:$0x3] =	stream.indirect_vreg.gather [hbm4b:s2+s3], $0x80, v2, vm0, $0xb8;
	[tilespmem:$0x18200] =	vst v63  }
0x108: {  	s28 =	simm.s32 $0x10A00  }
0x109: {  	[tilespmem:s28], [sflag:$0x3] =	stream.indirect_vreg.gather [hbm4b:s5+s3], $0x80, v2, vm0, $0xb8;
	[tilespmem:$0x18200] =	vst v63  }
0x10a: {  	s28 =	simm.s32 $0x11200  }
0x10b: {  	[tilespmem:s28], [sflag:$0x3] =	stream.indirect_vreg.gather [hbm4b:s6+s3], $0x80, v2, vm0, $0xb8;
	[tilespmem:$0x18200] =	vst v63  }
0x10c: {  	s28 =	simm.s32 $0x11A00  }
0x10d: {  	[tilespmem:s28], [sflag:$0x3] =	stream.indirect_vreg.gather [hbm4b:s7+s3], $0x80, v2, vm0, $0xb8;
	[tilespmem:$0x18200] =	vst v63  }
0x10e: {  	s28 =	simm.s32 $0x12200  }
0x10f: {  	[tilespmem:s28], [sflag:$0x3] =	stream.indirect_vreg.gather [hbm4b:s8+s3], $0x80, v2, vm0, $0xb8;
	[tilespmem:$0x18200] =	vst v63  }
0x110: {  	s28 =	simm.s32 $0x12A00  }
0x111: {  	[tilespmem:s28], [sflag:$0x3] =	stream.indirect_vreg.gather [hbm4b:s9+s3], $0x80, v2, vm0, $0xb8;
	[tilespmem:$0x18200] =	vst v63  }
0x112: {  	s28 =	simm.s32 $0x13200  }
0x113: {  	[tilespmem:s28], [sflag:$0x3] =	stream.indirect_vreg.gather [hbm4b:s10+s3], $0x80, v2, vm0, $0xb8;
	[tilespmem:$0x18200] =	vst v63  }
0x114: {  	s28 =	simm.s32 $0x13A00  }
0x115: {  	[tilespmem:s28], [sflag:$0x3] =	stream.indirect_vreg.gather [hbm4b:s11+s3], $0x80, v2, vm0, $0xb8;
	[tilespmem:$0x18200] =	vst v63  }
0x116: {  	s28 =	simm.s32 $0x14200  }
0x117: {  	[tilespmem:s28], [sflag:$0x3] =	stream.indirect_vreg.gather [hbm4b:s12+s3], $0x80, v2, vm0, $0xb8;
	[tilespmem:$0x18200] =	vst v63  }
0x118: {  	s28 =	simm.s32 $0x14A00  }
0x119: {  	[tilespmem:s28], [sflag:$0x3] =	stream.indirect_vreg.gather [hbm4b:s13+s3], $0x80, v2, vm0, $0xb8;
	[tilespmem:$0x18200] =	vst v63  }
0x11a: {  	s28 =	simm.s32 $0x15200  }
0x11b: {  	[tilespmem:s28], [sflag:$0x3] =	stream.indirect_vreg.gather [hbm4b:s14+s3], $0x80, v2, vm0, $0xb8;
	[tilespmem:$0x18200] =	vst v63  }
0x11c: {  	s28 =	simm.s32 $0x15A00  }
0x11d: {  	[tilespmem:s28], [sflag:$0x3] =	stream.indirect_vreg.gather [hbm4b:s15+s3], $0x80, v2, vm0, $0xb8;
	[tilespmem:$0x18200] =	vst v63  }
0x11e: {  	s28 =	simm.s32 $0x16200  }
0x11f: {  	[tilespmem:s28], [sflag:$0x3] =	stream.indirect_vreg.gather [hbm4b:s16+s3], $0x80, v2, vm0, $0xb8;
	[tilespmem:$0x18200] =	vst v63  }
0x120: {  	s28 =	simm.s32 $0x16A00  }
0x121: {  	[tilespmem:s28], [sflag:$0x3] =	stream.indirect_vreg.gather [hbm4b:s17+s3], $0x80, v2, vm0, $0xb8;
	[tilespmem:$0x18200] =	vst v63  }
.Ltmp3:
0x122: {  	_ = 	snop;
	(pc) =	sbr.rel .LBB2_2-.Ltmp3, $4  }
0x123: {  	s28 =	simm.s32 $0x17200  }
0x124: {  	[tilespmem:s28], [sflag:$0x3] =	stream.indirect_vreg.gather [hbm4b:s18+s3], $0x80, v2, vm0, $0xb8;
	[tilespmem:$0x18200] =	vst v63  }
0x125: {  	s24 =	sadd.s32 $0x60, s24;
	s26 =	sadd.s32 $0x3000, s26  }
0x126: {  	[tilespmem:s31], [sflag:$0x3] =	stream.indirect_vreg.gather [hbm4b:s19+s3], $0x80, v2, vm0, $0xb8;
	[tilespmem:$0x18200] =	vst v63  }
.LBB2_5:
0x127: {  	_ =	sfence.sel $0x180000  }
0x128: {  	[bflag:$0x0] =	sbarrier.arrive $0xFFFF  }
0x129: {  	_ =	strace $0x90000047  }
0x12a: {  	s0 =	stileid.u32;
	[bflag:$0x2] =	sbarrier.arrive $0xFFFF  }
0x12b: {  	p0 =	sne.s32 s0, $0x0;
	s0 =	rddreg [dreg:$0x3]  }
0x12c: {  	s0 =	sadd.s32 @!p0 $0x100000, s0  }
0x12d: {  	[sflag:s0] =	ssyncadd.tile.s32 @!p0 $0x1;
	_ =	shalt  }
.Lfunc_end2:
_tile_overlayer_lowered:
.L_overlay_start_2:
0x12e: {  	(tag) =	ssettag $0x2  }
0x12f: {  	s0 =	rddreg [dreg:$0x0];
	s2 =	stileid.u32  }
0x130: {  	s1 =	rddreg [dreg:$0x1];
	p0 =	sne.s32 s2, $0x0  }
0x131: {  	s3 =	rddreg [dreg:$0x2];
	[bflag:$0x3] =	sbarrier.arrive $0xFFFF;
	s2 =	simm.s32 @!p0 $0x1C07  }
0x132: {  	[timem:s3], [sflag:s2] =	dma.local @!p0 [hbm:s0], s1  }
0x133: {  	s0 =	simm.s32 @!p0 $0x7  }
0x134: {  	_ =	swait.ge @!p0 [sflag:s0], s1  }
0x135: {  	s1 =	ssub.s32 @!p0 $0x0, s1;
	[sflag:s0] =	ssyncset.done @!p0 $0x0  }
0x136: {  	[sflag:s0] =	ssyncadd.s32 @!p0 s1  }
0x137: {  	[bflag:$0x3] =	sbarrier.arrive $0xFFFF  }
0x138: {  	_ =	shalt  }

</sc_bundles>
